<compile_context>
chip_gen: v7x
topology: tpu7x:2x2x1
jax: 0.10.2.dev20260603
libtpu: 0.0.44.dev20260713+nightly
codegen_flags: <defaults>
</compile_context>

<pallas_src>
import functools

import jax
import jax.numpy as jnp
from jax import lax
from jax.experimental import pallas as pl
from jax.experimental.pallas import tpu as pltpu
from jax.experimental.pallas import tpu_sc as plsc

_PERMUTATION_COUNT = 2


def _tc_lengths(L, B):
    def body(m_ref, o_ref):
        cnt = jnp.sum(m_ref[...].astype(jnp.int32), axis=0, keepdims=True)
        o_ref[...] = jnp.broadcast_to(cnt, (8, B))

    return pl.pallas_call(
        body,
        out_shape=jax.ShapeDtypeStruct((8, B), jnp.int32),
    )


def _make_sc_kernel(B, L, D, O, NC, NS):
    NW = NC * NS
    rpw = O // NW
    s_l = (D // 8) * (B // 128) * 8 * 128
    s_dt = (B // 128) * 8 * 128
    s_bt = 8 * 128

    mesh = plsc.VectorSubcoreMesh(core_axis_name="c", subcore_axis_name="s")

    gdnums = lax.GatherDimensionNumbers(
        offset_dims=(), collapsed_slice_dims=(0,), start_index_map=(0,)
    )

    def _lane_gather(v, idx16):
        return lax.gather(
            v, idx16[:, None], gdnums, slice_sizes=(1,),
            mode=lax.GatherScatterMode.PROMISE_IN_BOUNDS,
        )

    @functools.partial(
        pl.kernel,
        out_type=jax.ShapeDtypeStruct((D // 8, O // 16, 128), jnp.float32),
        mesh=mesh,
        scratch_types=[
            pltpu.VMEM((128,), jnp.int32),
            pltpu.VMEM((D, rpw), jnp.int32),
            pltpu.VMEM((D // 8, 8 * 128), jnp.float32),
            pltpu.VMEM((D // 8, 8, rpw), jnp.float32),
            pltpu.SemaphoreType.DMA,
        ],
        compiler_params=pltpu.CompilerParams(
            use_tc_tiling_on_sc=False, needs_layout_passes=False
        ),
    )
    def sc_kernel(cnt_hbm, emb_hbm, out_hbm,
                  cnt_v, idx_v, blk_v, dst_v, sem):
        wid = lax.axis_index("s") * NC + lax.axis_index("c")
        pltpu.sync_copy(cnt_hbm.at[pl.ds(wid * 1024, 128)], cnt_v)

        lane = lax.iota(jnp.int32, 16)
        cnts = [cnt_v[pl.ds(k * 16, 16)] for k in range(8)]

        lbs, lvs = [], []
        for g in range(4):
            v = jnp.zeros((16,), jnp.int32)
            for r in range(16):
                bc = _PERMUTATION_COUNT * (g * 16 + r)
                v = jnp.where(lane == r, cnts[bc // 16][bc % 16], v)
            l_idx = jnp.maximum(v, 1) - 1
            lvs.append(l_idx)
            lbs.append(l_idx * s_l + wid * s_bt
                       + _PERMUTATION_COUNT * (g * 16) + _PERMUTATION_COUNT * lane)

        lmin = jnp.min(jnp.minimum(jnp.minimum(lvs[0], lvs[1]),
                                   jnp.minimum(lvs[2], lvs[3])))
        lmax = jnp.max(jnp.maximum(jnp.maximum(lvs[0], lvs[1]),
                                   jnp.maximum(lvs[2], lvs[3])))
        uniform = lmin == lmax

        @pl.when(uniform)
        def _fast():
            base = lmin * s_l + wid * s_bt
            for dt in range(D // 8):
                pltpu.sync_copy(
                    emb_hbm.at[pl.ds(base + dt * s_dt, 8 * 128)],
                    blk_v.at[dt],
                )
            ev = jnp.where(lane < 8, lane * 2, lane * 2 - 16)

            def dt_body(dt, _):
                for dr in range(8):
                    vs = [blk_v[dt, pl.ds(dr * 128 + k * 16, 16)]
                          for k in range(8)]
                    for k in range(4):
                        g1 = _lane_gather(vs[2 * k], ev)
                        g2 = _lane_gather(vs[2 * k + 1], ev)
                        dst_v[dt, dr, pl.ds(k * 16, 16)] = (
                            jnp.where(lane < 8, g1, g2))
                return 0

            lax.fori_loop(0, D // 8, dt_body, 0)

        @pl.when(jnp.logical_not(uniform))
        def _slow():
            def idx_body(d, _):
                hi = (d >> 3) * s_dt + (d & 7) * 128
                for g in range(4):
                    idx_v[d, pl.ds(g * 16, 16)] = lbs[g] + hi
                return 0

            lax.fori_loop(0, D, idx_body, 0)

            def fire_body(d, _):
                pltpu.async_copy(
                    emb_hbm.at[idx_v.at[d]], dst_v.at[d >> 3, d & 7], sem
                )
                return 0

            def drain_body(d, _):
                pltpu.make_async_copy(
                    emb_hbm.at[idx_v.at[d]], dst_v.at[d >> 3, d & 7], sem
                ).wait()
                return 0

            lax.fori_loop(0, D, fire_body, 0)
            lax.fori_loop(0, D, drain_body, 0)
        pltpu.sync_copy(
            dst_v,
            out_hbm.at[:, pl.ds((wid >> 1) * 8, 8),
                       pl.ds((wid & 1) * rpw, rpw)],
        )

    return sc_kernel


def kernel(embeddings, labels, embeddings_mask, labels_mask):
    B, L, D = embeddings.shape
    O = len(range(0, B - 1, _PERMUTATION_COUNT))
    info = plsc.get_sparse_core_info()
    NC, NS = info.num_cores, info.num_subcores

    emb_phys = (
        embeddings.reshape(B // 128, 128, L, D // 8, 8)
        .transpose(2, 3, 0, 4, 1)
        .reshape(B * L * D)
    )
    cnt = (
        _tc_lengths(L, B)(labels_mask.T.view(jnp.int8))
        .reshape(8, B // 128, 128)
        .transpose(1, 0, 2)
        .reshape(8 * B)
    )

    out = _make_sc_kernel(B, L, D, O, NC, NS)(cnt, emb_phys)
    return (
        out.reshape(D // 8, O // 128, 8, 128)
        .transpose(1, 3, 0, 2)
        .reshape(O, 1, D)
    )

# --- scband reference (transcript-rebuilt; emitter-appended) ---
"""Pipeline reference for scband-extract-embeddings-layer-26396869001795 (READ-ONLY COPY).

The authoritative reference and input builder live on the scoring server;
editing this copy changes nothing except your own understanding.
"""

import jax, jax.numpy as jnp
import numpy as np

PERMUTATION_COUNT = 2


def setup_inputs(seed: int = 0) -> dict:
    key = jax.random.key(seed)
    k_emb, k_lab = jax.random.split(key, 2)
    B, L, D = 4096, 200, 64
    embeddings = jax.random.normal(k_emb, (B, L, D), dtype=jnp.float32)
    labels = jax.random.randint(k_lab, (B, L), 0, 1000, dtype=jnp.int64)
    embeddings_mask = jnp.ones((B, L), dtype=bool)
    labels_mask = jnp.ones((B, L), dtype=bool)
    return {
        "embeddings": embeddings,
        "labels": labels,
        "embeddings_mask": embeddings_mask,
        "labels_mask": labels_mask,
    }


def reference(embeddings, labels, embeddings_mask, labels_mask):
    # lengths = sum(labels_mask) - 1, shape (B, 1): index of last valid position
    batch_size = labels_mask.shape[0]
    lengths = (jnp.sum(labels_mask.astype(jnp.int64), axis=1) - 1).reshape(batch_size, 1)
    # tf.gather(embeddings, lengths, batch_dims=1, axis=1) -> [B, 1, D]
    gathered = jnp.take_along_axis(embeddings, lengths[:, :, None], axis=1)
    # strided slice over the batch dimension: [0:-1:permutation_count]
    out = gathered[0:-1:PERMUTATION_COUNT]
    return out

if __name__ == "__main__":
    import jax
    _d = setup_inputs()
    print(jax.jit(kernel)(*tuple(_d.values())))

</pallas_src>

<mosaic_0001>
#map = affine_map<(d0, d1) -> (0)>
#map1 = affine_map<(d0, d1) -> (0, 0, 0)>
module attributes {stable_mosaic.version = 14 : i64} {
  func.func @sc_kernel(%arg0: i32, %arg1: i32, %arg2: memref<32768xi32, #tpu.memory_space<hbm>>, %arg3: memref<52428800xf32, #tpu.memory_space<hbm>>, %arg4: memref<8x128x128xf32, #tpu.memory_space<hbm>>, %arg5: memref<128xi32, #tpu.memory_space<vmem>>, %arg6: memref<64x64xi32, #tpu.memory_space<vmem>>, %arg7: memref<8x1024xf32, #tpu.memory_space<vmem>>, %arg8: memref<8x8x64xf32, #tpu.memory_space<vmem>>, %arg9: memref<!tpu.dma_semaphore, #tpu.memory_space<semaphore_mem>>) attributes {dimension_semantics = [#tpu.dimension_semantics<core_parallel>, #tpu.dimension_semantics<subcore_parallel>], iteration_bounds = array<i64: 2, 16>, scalar_prefetch = 0 : i64, scratch_operands = 5 : i64, tpu.core_type = #tpu.core_type<sc_vector_subcore>, window_params = [{transform_indices = #map}, {transform_indices = #map}, {transform_indices = #map1}]} {
    %mul3A = arith.constant 2 : i32
    %mul3A_0 = arith.muli %arg1, %mul3A : i32
    %add3A = arith.addi %mul3A_0, %arg0 : i32
    %mul3A_1 = arith.constant 1024 : i32
    %mul3A_2 = arith.muli %add3A, %mul3A_1 : i32
    "tpu.region"() ({
      %run_scoped3A = tpu.sem_alloc : memref<!tpu.dma_semaphore, #tpu.memory_space<semaphore_mem>>
      %dma_start3A = tpu.memref_slice %arg2[%mul3A_2] : memref<32768xi32, #tpu.memory_space<hbm>> -> memref<128xi32, #tpu.memory_space<hbm>>
      %dma_start3A_578 = tpu.memref_slice %arg2[%mul3A_2] : memref<32768xi32, #tpu.memory_space<hbm>> -> memref<128xi32, #tpu.memory_space<hbm>>
      tpu.enqueue_dma source(%dma_start3A_578 : memref<128xi32, #tpu.memory_space<hbm>>) target(%arg5 : memref<128xi32, #tpu.memory_space<vmem>>) target_semaphore(%run_scoped3A : memref<!tpu.dma_semaphore, #tpu.memory_space<semaphore_mem>>)
      %dma_wait3A = tpu.memref_slice %arg2[%mul3A_2] : memref<32768xi32, #tpu.memory_space<hbm>> -> memref<128xi32, #tpu.memory_space<hbm>>
      %dma_wait3A_579 = tpu.memref_slice %arg2[%mul3A_2] : memref<32768xi32, #tpu.memory_space<hbm>> -> memref<128xi32, #tpu.memory_space<hbm>>
      tpu.wait_dma2 semaphore(%run_scoped3A : memref<!tpu.dma_semaphore, #tpu.memory_space<semaphore_mem>>) src(%dma_wait3A_579 : memref<128xi32, #tpu.memory_space<hbm>>) dst(%arg5 : memref<128xi32, #tpu.memory_space<vmem>>)
      tpu.yield
    }) : () -> ()
    %iota3A = tpu.iota {dimensions = array<i32: 0>} : vector<16xi32>
    %get3A = arith.constant 0 : index
    %get3A_3 = tpu.vector_load %arg5[%get3A] {strides = array<i32>} : memref<128xi32, #tpu.memory_space<vmem>>, vector<16xi32>,
    %get3A_4 = arith.constant 16 : index
    %get3A_5 = tpu.vector_load %arg5[%get3A_4] {strides = array<i32>} : memref<128xi32, #tpu.memory_space<vmem>>, vector<16xi32>,
    %get3A_6 = arith.constant 32 : index
    %get3A_7 = tpu.vector_load %arg5[%get3A_6] {strides = array<i32>} : memref<128xi32, #tpu.memory_space<vmem>>, vector<16xi32>,
    %get3A_8 = arith.constant 48 : index
    %get3A_9 = tpu.vector_load %arg5[%get3A_8] {strides = array<i32>} : memref<128xi32, #tpu.memory_space<vmem>>, vector<16xi32>,
    %get3A_10 = arith.constant 64 : index
    %get3A_11 = tpu.vector_load %arg5[%get3A_10] {strides = array<i32>} : memref<128xi32, #tpu.memory_space<vmem>>, vector<16xi32>,
    %get3A_12 = arith.constant 80 : index
    %get3A_13 = tpu.vector_load %arg5[%get3A_12] {strides = array<i32>} : memref<128xi32, #tpu.memory_space<vmem>>, vector<16xi32>,
    %get3A_14 = arith.constant 96 : index
    %get3A_15 = tpu.vector_load %arg5[%get3A_14] {strides = array<i32>} : memref<128xi32, #tpu.memory_space<vmem>>, vector<16xi32>,
    %get3A_16 = arith.constant 112 : index
    %get3A_17 = tpu.vector_load %arg5[%get3A_16] {strides = array<i32>} : memref<128xi32, #tpu.memory_space<vmem>>, vector<16xi32>,
    %broadcast_in_dim3A = arith.constant 0 : i32
    %broadcast_in_dim3A_18 = vector.broadcast %broadcast_in_dim3A : i32 to vector<16xi32>
    %eq3A = arith.constant 0 : i32
    %eq3A_19 = vector.broadcast %eq3A : i32 to vector<16xi32>
    %eq3A_20 = arith.cmpi eq, %iota3A, %eq3A_19 : vector<16xi32>
    %slice3A = vector.extract_strided_slice %get3A_3 {offsets = [0], sizes = [1], strides = [1]} : vector<16xi32> to vector<1xi32>
    %squeeze3A = vector.extract %slice3A[0] : i32 from vector<1xi32>
    %broadcast_in_dim3A_21 = vector.broadcast %squeeze3A : i32 to vector<16xi32>
    %select_n3A = arith.select %eq3A_20, %broadcast_in_dim3A_21, %broadcast_in_dim3A_18 : vector<16xi1>, vector<16xi32>
    %eq3A_22 = arith.constant 1 : i32
    %eq3A_23 = vector.broadcast %eq3A_22 : i32 to vector<16xi32>
    %eq3A_24 = arith.cmpi eq, %iota3A, %eq3A_23 : vector<16xi32>
    %slice3A_25 = vector.extract_strided_slice %get3A_3 {offsets = [2], sizes = [1], strides = [1]} : vector<16xi32> to vector<1xi32>
    %squeeze3A_26 = vector.extract %slice3A_25[0] : i32 from vector<1xi32>
    %broadcast_in_dim3A_27 = vector.broadcast %squeeze3A_26 : i32 to vector<16xi32>
    %select_n3A_28 = arith.select %eq3A_24, %broadcast_in_dim3A_27, %select_n3A : vector<16xi1>, vector<16xi32>
    %eq3A_29 = arith.constant 2 : i32
    %eq3A_30 = vector.broadcast %eq3A_29 : i32 to vector<16xi32>
    %eq3A_31 = arith.cmpi eq, %iota3A, %eq3A_30 : vector<16xi32>
    %slice3A_32 = vector.extract_strided_slice %get3A_3 {offsets = [4], sizes = [1], strides = [1]} : vector<16xi32> to vector<1xi32>
    %squeeze3A_33 = vector.extract %slice3A_32[0] : i32 from vector<1xi32>
    %broadcast_in_dim3A_34 = vector.broadcast %squeeze3A_33 : i32 to vector<16xi32>
    %select_n3A_35 = arith.select %eq3A_31, %broadcast_in_dim3A_34, %select_n3A_28 : vector<16xi1>, vector<16xi32>
    %eq3A_36 = arith.constant 3 : i32
    %eq3A_37 = vector.broadcast %eq3A_36 : i32 to vector<16xi32>
    %eq3A_38 = arith.cmpi eq, %iota3A, %eq3A_37 : vector<16xi32>
    %slice3A_39 = vector.extract_strided_slice %get3A_3 {offsets = [6], sizes = [1], strides = [1]} : vector<16xi32> to vector<1xi32>
    %squeeze3A_40 = vector.extract %slice3A_39[0] : i32 from vector<1xi32>
    %broadcast_in_dim3A_41 = vector.broadcast %squeeze3A_40 : i32 to vector<16xi32>
    %select_n3A_42 = arith.select %eq3A_38, %broadcast_in_dim3A_41, %select_n3A_35 : vector<16xi1>, vector<16xi32>
    %eq3A_43 = arith.constant 4 : i32
    %eq3A_44 = vector.broadcast %eq3A_43 : i32 to vector<16xi32>
    %eq3A_45 = arith.cmpi eq, %iota3A, %eq3A_44 : vector<16xi32>
    %slice3A_46 = vector.extract_strided_slice %get3A_3 {offsets = [8], sizes = [1], strides = [1]} : vector<16xi32> to vector<1xi32>
    %squeeze3A_47 = vector.extract %slice3A_46[0] : i32 from vector<1xi32>
    %broadcast_in_dim3A_48 = vector.broadcast %squeeze3A_47 : i32 to vector<16xi32>
    %select_n3A_49 = arith.select %eq3A_45, %broadcast_in_dim3A_48, %select_n3A_42 : vector<16xi1>, vector<16xi32>
    %eq3A_50 = arith.constant 5 : i32
    %eq3A_51 = vector.broadcast %eq3A_50 : i32 to vector<16xi32>
    %eq3A_52 = arith.cmpi eq, %iota3A, %eq3A_51 : vector<16xi32>
    %slice3A_53 = vector.extract_strided_slice %get3A_3 {offsets = [10], sizes = [1], strides = [1]} : vector<16xi32> to vector<1xi32>
    %squeeze3A_54 = vector.extract %slice3A_53[0] : i32 from vector<1xi32>
    %broadcast_in_dim3A_55 = vector.broadcast %squeeze3A_54 : i32 to vector<16xi32>
    %select_n3A_56 = arith.select %eq3A_52, %broadcast_in_dim3A_55, %select_n3A_49 : vector<16xi1>, vector<16xi32>
    %eq3A_57 = arith.constant 6 : i32
    %eq3A_58 = vector.broadcast %eq3A_57 : i32 to vector<16xi32>
    %eq3A_59 = arith.cmpi eq, %iota3A, %eq3A_58 : vector<16xi32>
    %slice3A_60 = vector.extract_strided_slice %get3A_3 {offsets = [12], sizes = [1], strides = [1]} : vector<16xi32> to vector<1xi32>
    %squeeze3A_61 = vector.extract %slice3A_60[0] : i32 from vector<1xi32>
    %broadcast_in_dim3A_62 = vector.broadcast %squeeze3A_61 : i32 to vector<16xi32>
    %select_n3A_63 = arith.select %eq3A_59, %broadcast_in_dim3A_62, %select_n3A_56 : vector<16xi1>, vector<16xi32>
    %eq3A_64 = arith.constant 7 : i32
    %eq3A_65 = vector.broadcast %eq3A_64 : i32 to vector<16xi32>
    %eq3A_66 = arith.cmpi eq, %iota3A, %eq3A_65 : vector<16xi32>
    %slice3A_67 = vector.extract_strided_slice %get3A_3 {offsets = [14], sizes = [1], strides = [1]} : vector<16xi32> to vector<1xi32>
    %squeeze3A_68 = vector.extract %slice3A_67[0] : i32 from vector<1xi32>
    %broadcast_in_dim3A_69 = vector.broadcast %squeeze3A_68 : i32 to vector<16xi32>
    %select_n3A_70 = arith.select %eq3A_66, %broadcast_in_dim3A_69, %select_n3A_63 : vector<16xi1>, vector<16xi32>
    %eq3A_71 = arith.constant 8 : i32
    %eq3A_72 = vector.broadcast %eq3A_71 : i32 to vector<16xi32>
    %eq3A_73 = arith.cmpi eq, %iota3A, %eq3A_72 : vector<16xi32>
    %slice3A_74 = vector.extract_strided_slice %get3A_5 {offsets = [0], sizes = [1], strides = [1]} : vector<16xi32> to vector<1xi32>
    %squeeze3A_75 = vector.extract %slice3A_74[0] : i32 from vector<1xi32>
    %broadcast_in_dim3A_76 = vector.broadcast %squeeze3A_75 : i32 to vector<16xi32>
    %select_n3A_77 = arith.select %eq3A_73, %broadcast_in_dim3A_76, %select_n3A_70 : vector<16xi1>, vector<16xi32>
    %eq3A_78 = arith.constant 9 : i32
    %eq3A_79 = vector.broadcast %eq3A_78 : i32 to vector<16xi32>
    %eq3A_80 = arith.cmpi eq, %iota3A, %eq3A_79 : vector<16xi32>
    %slice3A_81 = vector.extract_strided_slice %get3A_5 {offsets = [2], sizes = [1], strides = [1]} : vector<16xi32> to vector<1xi32>
    %squeeze3A_82 = vector.extract %slice3A_81[0] : i32 from vector<1xi32>
    %broadcast_in_dim3A_83 = vector.broadcast %squeeze3A_82 : i32 to vector<16xi32>
    %select_n3A_84 = arith.select %eq3A_80, %broadcast_in_dim3A_83, %select_n3A_77 : vector<16xi1>, vector<16xi32>
    %eq3A_85 = arith.constant 10 : i32
    %eq3A_86 = vector.broadcast %eq3A_85 : i32 to vector<16xi32>
    %eq3A_87 = arith.cmpi eq, %iota3A, %eq3A_86 : vector<16xi32>
    %slice3A_88 = vector.extract_strided_slice %get3A_5 {offsets = [4], sizes = [1], strides = [1]} : vector<16xi32> to vector<1xi32>
    %squeeze3A_89 = vector.extract %slice3A_88[0] : i32 from vector<1xi32>
    %broadcast_in_dim3A_90 = vector.broadcast %squeeze3A_89 : i32 to vector<16xi32>
    %select_n3A_91 = arith.select %eq3A_87, %broadcast_in_dim3A_90, %select_n3A_84 : vector<16xi1>, vector<16xi32>
    %eq3A_92 = arith.constant 11 : i32
    %eq3A_93 = vector.broadcast %eq3A_92 : i32 to vector<16xi32>
    %eq3A_94 = arith.cmpi eq, %iota3A, %eq3A_93 : vector<16xi32>
    %slice3A_95 = vector.extract_strided_slice %get3A_5 {offsets = [6], sizes = [1], strides = [1]} : vector<16xi32> to vector<1xi32>
    %squeeze3A_96 = vector.extract %slice3A_95[0] : i32 from vector<1xi32>
    %broadcast_in_dim3A_97 = vector.broadcast %squeeze3A_96 : i32 to vector<16xi32>
    %select_n3A_98 = arith.select %eq3A_94, %broadcast_in_dim3A_97, %select_n3A_91 : vector<16xi1>, vector<16xi32>
    %eq3A_99 = arith.constant 12 : i32
    %eq3A_100 = vector.broadcast %eq3A_99 : i32 to vector<16xi32>
    %eq3A_101 = arith.cmpi eq, %iota3A, %eq3A_100 : vector<16xi32>
    %slice3A_102 = vector.extract_strided_slice %get3A_5 {offsets = [8], sizes = [1], strides = [1]} : vector<16xi32> to vector<1xi32>
    %squeeze3A_103 = vector.extract %slice3A_102[0] : i32 from vector<1xi32>
    %broadcast_in_dim3A_104 = vector.broadcast %squeeze3A_103 : i32 to vector<16xi32>
    %select_n3A_105 = arith.select %eq3A_101, %broadcast_in_dim3A_104, %select_n3A_98 : vector<16xi1>, vector<16xi32>
    %eq3A_106 = arith.constant 13 : i32
    %eq3A_107 = vector.broadcast %eq3A_106 : i32 to vector<16xi32>
    %eq3A_108 = arith.cmpi eq, %iota3A, %eq3A_107 : vector<16xi32>
    %slice3A_109 = vector.extract_strided_slice %get3A_5 {offsets = [10], sizes = [1], strides = [1]} : vector<16xi32> to vector<1xi32>
    %squeeze3A_110 = vector.extract %slice3A_109[0] : i32 from vector<1xi32>
    %broadcast_in_dim3A_111 = vector.broadcast %squeeze3A_110 : i32 to vector<16xi32>
    %select_n3A_112 = arith.select %eq3A_108, %broadcast_in_dim3A_111, %select_n3A_105 : vector<16xi1>, vector<16xi32>
    %eq3A_113 = arith.constant 14 : i32
    %eq3A_114 = vector.broadcast %eq3A_113 : i32 to vector<16xi32>
    %eq3A_115 = arith.cmpi eq, %iota3A, %eq3A_114 : vector<16xi32>
    %slice3A_116 = vector.extract_strided_slice %get3A_5 {offsets = [12], sizes = [1], strides = [1]} : vector<16xi32> to vector<1xi32>
    %squeeze3A_117 = vector.extract %slice3A_116[0] : i32 from vector<1xi32>
    %broadcast_in_dim3A_118 = vector.broadcast %squeeze3A_117 : i32 to vector<16xi32>
    %select_n3A_119 = arith.select %eq3A_115, %broadcast_in_dim3A_118, %select_n3A_112 : vector<16xi1>, vector<16xi32>
    %eq3A_120 = arith.constant 15 : i32
    %eq3A_121 = vector.broadcast %eq3A_120 : i32 to vector<16xi32>
    %eq3A_122 = arith.cmpi eq, %iota3A, %eq3A_121 : vector<16xi32>
    %slice3A_123 = vector.extract_strided_slice %get3A_5 {offsets = [14], sizes = [1], strides = [1]} : vector<16xi32> to vector<1xi32>
    %squeeze3A_124 = vector.extract %slice3A_123[0] : i32 from vector<1xi32>
    %broadcast_in_dim3A_125 = vector.broadcast %squeeze3A_124 : i32 to vector<16xi32>
    %select_n3A_126 = arith.select %eq3A_122, %broadcast_in_dim3A_125, %select_n3A_119 : vector<16xi1>, vector<16xi32>
    %max3A = arith.constant 1 : i32
    %max3A_127 = vector.broadcast %max3A : i32 to vector<16xi32>
    %max3A_128 = arith.maxsi %select_n3A_126, %max3A_127 : vector<16xi32>
    %sub3A = arith.constant 1 : i32
    %sub3A_129 = vector.broadcast %sub3A : i32 to vector<16xi32>
    %sub3A_130 = arith.subi %max3A_128, %sub3A_129 : vector<16xi32>
    %mul3A_131 = arith.constant 262144 : i32
    %mul3A_132 = vector.broadcast %mul3A_131 : i32 to vector<16xi32>
    %mul3A_133 = arith.muli %sub3A_130, %mul3A_132 : vector<16xi32>
    %mul3A_134 = arith.constant 1024 : i32
    %mul3A_135 = arith.muli %add3A, %mul3A_134 : i32
    %add3A_136 = vector.broadcast %mul3A_135 : i32 to vector<16xi32>
    %add3A_137 = arith.addi %mul3A_133, %add3A_136 : vector<16xi32>
    %add3A_138 = arith.constant 0 : i32
    %add3A_139 = vector.broadcast %add3A_138 : i32 to vector<16xi32>
    %add3A_140 = arith.addi %add3A_137, %add3A_139 : vector<16xi32>
    %mul3A_141 = arith.constant 2 : i32
    %mul3A_142 = vector.broadcast %mul3A_141 : i32 to vector<16xi32>
    %mul3A_143 = arith.muli %mul3A_142, %iota3A : vector<16xi32>
    %add3A_144 = arith.addi %add3A_140, %mul3A_143 : vector<16xi32>
    %broadcast_in_dim3A_145 = arith.constant 0 : i32
    %broadcast_in_dim3A_146 = vector.broadcast %broadcast_in_dim3A_145 : i32 to vector<16xi32>
    %eq3A_147 = arith.constant 0 : i32
    %eq3A_148 = vector.broadcast %eq3A_147 : i32 to vector<16xi32>
    %eq3A_149 = arith.cmpi eq, %iota3A, %eq3A_148 : vector<16xi32>
    %slice3A_150 = vector.extract_strided_slice %get3A_7 {offsets = [0], sizes = [1], strides = [1]} : vector<16xi32> to vector<1xi32>
    %squeeze3A_151 = vector.extract %slice3A_150[0] : i32 from vector<1xi32>
    %broadcast_in_dim3A_152 = vector.broadcast %squeeze3A_151 : i32 to vector<16xi32>
    %select_n3A_153 = arith.select %eq3A_149, %broadcast_in_dim3A_152, %broadcast_in_dim3A_146 : vector<16xi1>, vector<16xi32>
    %eq3A_154 = arith.constant 1 : i32
    %eq3A_155 = vector.broadcast %eq3A_154 : i32 to vector<16xi32>
    %eq3A_156 = arith.cmpi eq, %iota3A, %eq3A_155 : vector<16xi32>
    %slice3A_157 = vector.extract_strided_slice %get3A_7 {offsets = [2], sizes = [1], strides = [1]} : vector<16xi32> to vector<1xi32>
    %squeeze3A_158 = vector.extract %slice3A_157[0] : i32 from vector<1xi32>
    %broadcast_in_dim3A_159 = vector.broadcast %squeeze3A_158 : i32 to vector<16xi32>
    %select_n3A_160 = arith.select %eq3A_156, %broadcast_in_dim3A_159, %select_n3A_153 : vector<16xi1>, vector<16xi32>
    %eq3A_161 = arith.constant 2 : i32
    %eq3A_162 = vector.broadcast %eq3A_161 : i32 to vector<16xi32>
    %eq3A_163 = arith.cmpi eq, %iota3A, %eq3A_162 : vector<16xi32>
    %slice3A_164 = vector.extract_strided_slice %get3A_7 {offsets = [4], sizes = [1], strides = [1]} : vector<16xi32> to vector<1xi32>
    %squeeze3A_165 = vector.extract %slice3A_164[0] : i32 from vector<1xi32>
    %broadcast_in_dim3A_166 = vector.broadcast %squeeze3A_165 : i32 to vector<16xi32>
    %select_n3A_167 = arith.select %eq3A_163, %broadcast_in_dim3A_166, %select_n3A_160 : vector<16xi1>, vector<16xi32>
    %eq3A_168 = arith.constant 3 : i32
    %eq3A_169 = vector.broadcast %eq3A_168 : i32 to vector<16xi32>
    %eq3A_170 = arith.cmpi eq, %iota3A, %eq3A_169 : vector<16xi32>
    %slice3A_171 = vector.extract_strided_slice %get3A_7 {offsets = [6], sizes = [1], strides = [1]} : vector<16xi32> to vector<1xi32>
    %squeeze3A_172 = vector.extract %slice3A_171[0] : i32 from vector<1xi32>
    %broadcast_in_dim3A_173 = vector.broadcast %squeeze3A_172 : i32 to vector<16xi32>
    %select_n3A_174 = arith.select %eq3A_170, %broadcast_in_dim3A_173, %select_n3A_167 : vector<16xi1>, vector<16xi32>
    %eq3A_175 = arith.constant 4 : i32
    %eq3A_176 = vector.broadcast %eq3A_175 : i32 to vector<16xi32>
    %eq3A_177 = arith.cmpi eq, %iota3A, %eq3A_176 : vector<16xi32>
    %slice3A_178 = vector.extract_strided_slice %get3A_7 {offsets = [8], sizes = [1], strides = [1]} : vector<16xi32> to vector<1xi32>
    %squeeze3A_179 = vector.extract %slice3A_178[0] : i32 from vector<1xi32>
    %broadcast_in_dim3A_180 = vector.broadcast %squeeze3A_179 : i32 to vector<16xi32>
    %select_n3A_181 = arith.select %eq3A_177, %broadcast_in_dim3A_180, %select_n3A_174 : vector<16xi1>, vector<16xi32>
    %eq3A_182 = arith.constant 5 : i32
    %eq3A_183 = vector.broadcast %eq3A_182 : i32 to vector<16xi32>
    %eq3A_184 = arith.cmpi eq, %iota3A, %eq3A_183 : vector<16xi32>
    %slice3A_185 = vector.extract_strided_slice %get3A_7 {offsets = [10], sizes = [1], strides = [1]} : vector<16xi32> to vector<1xi32>
    %squeeze3A_186 = vector.extract %slice3A_185[0] : i32 from vector<1xi32>
    %broadcast_in_dim3A_187 = vector.broadcast %squeeze3A_186 : i32 to vector<16xi32>
    %select_n3A_188 = arith.select %eq3A_184, %broadcast_in_dim3A_187, %select_n3A_181 : vector<16xi1>, vector<16xi32>
    %eq3A_189 = arith.constant 6 : i32
    %eq3A_190 = vector.broadcast %eq3A_189 : i32 to vector<16xi32>
    %eq3A_191 = arith.cmpi eq, %iota3A, %eq3A_190 : vector<16xi32>
    %slice3A_192 = vector.extract_strided_slice %get3A_7 {offsets = [12], sizes = [1], strides = [1]} : vector<16xi32> to vector<1xi32>
    %squeeze3A_193 = vector.extract %slice3A_192[0] : i32 from vector<1xi32>
    %broadcast_in_dim3A_194 = vector.broadcast %squeeze3A_193 : i32 to vector<16xi32>
    %select_n3A_195 = arith.select %eq3A_191, %broadcast_in_dim3A_194, %select_n3A_188 : vector<16xi1>, vector<16xi32>
    %eq3A_196 = arith.constant 7 : i32
    %eq3A_197 = vector.broadcast %eq3A_196 : i32 to vector<16xi32>
    %eq3A_198 = arith.cmpi eq, %iota3A, %eq3A_197 : vector<16xi32>
    %slice3A_199 = vector.extract_strided_slice %get3A_7 {offsets = [14], sizes = [1], strides = [1]} : vector<16xi32> to vector<1xi32>
    %squeeze3A_200 = vector.extract %slice3A_199[0] : i32 from vector<1xi32>
    %broadcast_in_dim3A_201 = vector.broadcast %squeeze3A_200 : i32 to vector<16xi32>
    %select_n3A_202 = arith.select %eq3A_198, %broadcast_in_dim3A_201, %select_n3A_195 : vector<16xi1>, vector<16xi32>
    %eq3A_203 = arith.constant 8 : i32
    %eq3A_204 = vector.broadcast %eq3A_203 : i32 to vector<16xi32>
    %eq3A_205 = arith.cmpi eq, %iota3A, %eq3A_204 : vector<16xi32>
    %slice3A_206 = vector.extract_strided_slice %get3A_9 {offsets = [0], sizes = [1], strides = [1]} : vector<16xi32> to vector<1xi32>
    %squeeze3A_207 = vector.extract %slice3A_206[0] : i32 from vector<1xi32>
    %broadcast_in_dim3A_208 = vector.broadcast %squeeze3A_207 : i32 to vector<16xi32>
    %select_n3A_209 = arith.select %eq3A_205, %broadcast_in_dim3A_208, %select_n3A_202 : vector<16xi1>, vector<16xi32>
    %eq3A_210 = arith.constant 9 : i32
    %eq3A_211 = vector.broadcast %eq3A_210 : i32 to vector<16xi32>
    %eq3A_212 = arith.cmpi eq, %iota3A, %eq3A_211 : vector<16xi32>
    %slice3A_213 = vector.extract_strided_slice %get3A_9 {offsets = [2], sizes = [1], strides = [1]} : vector<16xi32> to vector<1xi32>
    %squeeze3A_214 = vector.extract %slice3A_213[0] : i32 from vector<1xi32>
    %broadcast_in_dim3A_215 = vector.broadcast %squeeze3A_214 : i32 to vector<16xi32>
    %select_n3A_216 = arith.select %eq3A_212, %broadcast_in_dim3A_215, %select_n3A_209 : vector<16xi1>, vector<16xi32>
    %eq3A_217 = arith.constant 10 : i32
    %eq3A_218 = vector.broadcast %eq3A_217 : i32 to vector<16xi32>
    %eq3A_219 = arith.cmpi eq, %iota3A, %eq3A_218 : vector<16xi32>
    %slice3A_220 = vector.extract_strided_slice %get3A_9 {offsets = [4], sizes = [1], strides = [1]} : vector<16xi32> to vector<1xi32>
    %squeeze3A_221 = vector.extract %slice3A_220[0] : i32 from vector<1xi32>
    %broadcast_in_dim3A_222 = vector.broadcast %squeeze3A_221 : i32 to vector<16xi32>
    %select_n3A_223 = arith.select %eq3A_219, %broadcast_in_dim3A_222, %select_n3A_216 : vector<16xi1>, vector<16xi32>
    %eq3A_224 = arith.constant 11 : i32
    %eq3A_225 = vector.broadcast %eq3A_224 : i32 to vector<16xi32>
    %eq3A_226 = arith.cmpi eq, %iota3A, %eq3A_225 : vector<16xi32>
    %slice3A_227 = vector.extract_strided_slice %get3A_9 {offsets = [6], sizes = [1], strides = [1]} : vector<16xi32> to vector<1xi32>
    %squeeze3A_228 = vector.extract %slice3A_227[0] : i32 from vector<1xi32>
    %broadcast_in_dim3A_229 = vector.broadcast %squeeze3A_228 : i32 to vector<16xi32>
    %select_n3A_230 = arith.select %eq3A_226, %broadcast_in_dim3A_229, %select_n3A_223 : vector<16xi1>, vector<16xi32>
    %eq3A_231 = arith.constant 12 : i32
    %eq3A_232 = vector.broadcast %eq3A_231 : i32 to vector<16xi32>
    %eq3A_233 = arith.cmpi eq, %iota3A, %eq3A_232 : vector<16xi32>
    %slice3A_234 = vector.extract_strided_slice %get3A_9 {offsets = [8], sizes = [1], strides = [1]} : vector<16xi32> to vector<1xi32>
    %squeeze3A_235 = vector.extract %slice3A_234[0] : i32 from vector<1xi32>
    %broadcast_in_dim3A_236 = vector.broadcast %squeeze3A_235 : i32 to vector<16xi32>
    %select_n3A_237 = arith.select %eq3A_233, %broadcast_in_dim3A_236, %select_n3A_230 : vector<16xi1>, vector<16xi32>
    %eq3A_238 = arith.constant 13 : i32
    %eq3A_239 = vector.broadcast %eq3A_238 : i32 to vector<16xi32>
    %eq3A_240 = arith.cmpi eq, %iota3A, %eq3A_239 : vector<16xi32>
    %slice3A_241 = vector.extract_strided_slice %get3A_9 {offsets = [10], sizes = [1], strides = [1]} : vector<16xi32> to vector<1xi32>
    %squeeze3A_242 = vector.extract %slice3A_241[0] : i32 from vector<1xi32>
    %broadcast_in_dim3A_243 = vector.broadcast %squeeze3A_242 : i32 to vector<16xi32>
    %select_n3A_244 = arith.select %eq3A_240, %broadcast_in_dim3A_243, %select_n3A_237 : vector<16xi1>, vector<16xi32>
    %eq3A_245 = arith.constant 14 : i32
    %eq3A_246 = vector.broadcast %eq3A_245 : i32 to vector<16xi32>
    %eq3A_247 = arith.cmpi eq, %iota3A, %eq3A_246 : vector<16xi32>
    %slice3A_248 = vector.extract_strided_slice %get3A_9 {offsets = [12], sizes = [1], strides = [1]} : vector<16xi32> to vector<1xi32>
    %squeeze3A_249 = vector.extract %slice3A_248[0] : i32 from vector<1xi32>
    %broadcast_in_dim3A_250 = vector.broadcast %squeeze3A_249 : i32 to vector<16xi32>
    %select_n3A_251 = arith.select %eq3A_247, %broadcast_in_dim3A_250, %select_n3A_244 : vector<16xi1>, vector<16xi32>
    %eq3A_252 = arith.constant 15 : i32
    %eq3A_253 = vector.broadcast %eq3A_252 : i32 to vector<16xi32>
    %eq3A_254 = arith.cmpi eq, %iota3A, %eq3A_253 : vector<16xi32>
    %slice3A_255 = vector.extract_strided_slice %get3A_9 {offsets = [14], sizes = [1], strides = [1]} : vector<16xi32> to vector<1xi32>
    %squeeze3A_256 = vector.extract %slice3A_255[0] : i32 from vector<1xi32>
    %broadcast_in_dim3A_257 = vector.broadcast %squeeze3A_256 : i32 to vector<16xi32>
    %select_n3A_258 = arith.select %eq3A_254, %broadcast_in_dim3A_257, %select_n3A_251 : vector<16xi1>, vector<16xi32>
    %max3A_259 = arith.constant 1 : i32
    %max3A_260 = vector.broadcast %max3A_259 : i32 to vector<16xi32>
    %max3A_261 = arith.maxsi %select_n3A_258, %max3A_260 : vector<16xi32>
    %sub3A_262 = arith.constant 1 : i32
    %sub3A_263 = vector.broadcast %sub3A_262 : i32 to vector<16xi32>
    %sub3A_264 = arith.subi %max3A_261, %sub3A_263 : vector<16xi32>
    %mul3A_265 = arith.constant 262144 : i32
    %mul3A_266 = vector.broadcast %mul3A_265 : i32 to vector<16xi32>
    %mul3A_267 = arith.muli %sub3A_264, %mul3A_266 : vector<16xi32>
    %mul3A_268 = arith.constant 1024 : i32
    %mul3A_269 = arith.muli %add3A, %mul3A_268 : i32
    %add3A_270 = vector.broadcast %mul3A_269 : i32 to vector<16xi32>
    %add3A_271 = arith.addi %mul3A_267, %add3A_270 : vector<16xi32>
    %add3A_272 = arith.constant 32 : i32
    %add3A_273 = vector.broadcast %add3A_272 : i32 to vector<16xi32>
    %add3A_274 = arith.addi %add3A_271, %add3A_273 : vector<16xi32>
    %mul3A_275 = arith.constant 2 : i32
    %mul3A_276 = vector.broadcast %mul3A_275 : i32 to vector<16xi32>
    %mul3A_277 = arith.muli %mul3A_276, %iota3A : vector<16xi32>
    %add3A_278 = arith.addi %add3A_274, %mul3A_277 : vector<16xi32>
    %broadcast_in_dim3A_279 = arith.constant 0 : i32
    %broadcast_in_dim3A_280 = vector.broadcast %broadcast_in_dim3A_279 : i32 to vector<16xi32>
    %eq3A_281 = arith.constant 0 : i32
    %eq3A_282 = vector.broadcast %eq3A_281 : i32 to vector<16xi32>
    %eq3A_283 = arith.cmpi eq, %iota3A, %eq3A_282 : vector<16xi32>
    %slice3A_284 = vector.extract_strided_slice %get3A_11 {offsets = [0], sizes = [1], strides = [1]} : vector<16xi32> to vector<1xi32>
    %squeeze3A_285 = vector.extract %slice3A_284[0] : i32 from vector<1xi32>
    %broadcast_in_dim3A_286 = vector.broadcast %squeeze3A_285 : i32 to vector<16xi32>
    %select_n3A_287 = arith.select %eq3A_283, %broadcast_in_dim3A_286, %broadcast_in_dim3A_280 : vector<16xi1>, vector<16xi32>
    %eq3A_288 = arith.constant 1 : i32
    %eq3A_289 = vector.broadcast %eq3A_288 : i32 to vector<16xi32>
    %eq3A_290 = arith.cmpi eq, %iota3A, %eq3A_289 : vector<16xi32>
    %slice3A_291 = vector.extract_strided_slice %get3A_11 {offsets = [2], sizes = [1], strides = [1]} : vector<16xi32> to vector<1xi32>
    %squeeze3A_292 = vector.extract %slice3A_291[0] : i32 from vector<1xi32>
    %broadcast_in_dim3A_293 = vector.broadcast %squeeze3A_292 : i32 to vector<16xi32>
    %select_n3A_294 = arith.select %eq3A_290, %broadcast_in_dim3A_293, %select_n3A_287 : vector<16xi1>, vector<16xi32>
    %eq3A_295 = arith.constant 2 : i32
    %eq3A_296 = vector.broadcast %eq3A_295 : i32 to vector<16xi32>
    %eq3A_297 = arith.cmpi eq, %iota3A, %eq3A_296 : vector<16xi32>
    %slice3A_298 = vector.extract_strided_slice %get3A_11 {offsets = [4], sizes = [1], strides = [1]} : vector<16xi32> to vector<1xi32>
    %squeeze3A_299 = vector.extract %slice3A_298[0] : i32 from vector<1xi32>
    %broadcast_in_dim3A_300 = vector.broadcast %squeeze3A_299 : i32 to vector<16xi32>
    %select_n3A_301 = arith.select %eq3A_297, %broadcast_in_dim3A_300, %select_n3A_294 : vector<16xi1>, vector<16xi32>
    %eq3A_302 = arith.constant 3 : i32
    %eq3A_303 = vector.broadcast %eq3A_302 : i32 to vector<16xi32>
    %eq3A_304 = arith.cmpi eq, %iota3A, %eq3A_303 : vector<16xi32>
    %slice3A_305 = vector.extract_strided_slice %get3A_11 {offsets = [6], sizes = [1], strides = [1]} : vector<16xi32> to vector<1xi32>
    %squeeze3A_306 = vector.extract %slice3A_305[0] : i32 from vector<1xi32>
    %broadcast_in_dim3A_307 = vector.broadcast %squeeze3A_306 : i32 to vector<16xi32>
    %select_n3A_308 = arith.select %eq3A_304, %broadcast_in_dim3A_307, %select_n3A_301 : vector<16xi1>, vector<16xi32>
    %eq3A_309 = arith.constant 4 : i32
    %eq3A_310 = vector.broadcast %eq3A_309 : i32 to vector<16xi32>
    %eq3A_311 = arith.cmpi eq, %iota3A, %eq3A_310 : vector<16xi32>
    %slice3A_312 = vector.extract_strided_slice %get3A_11 {offsets = [8], sizes = [1], strides = [1]} : vector<16xi32> to vector<1xi32>
    %squeeze3A_313 = vector.extract %slice3A_312[0] : i32 from vector<1xi32>
    %broadcast_in_dim3A_314 = vector.broadcast %squeeze3A_313 : i32 to vector<16xi32>
    %select_n3A_315 = arith.select %eq3A_311, %broadcast_in_dim3A_314, %select_n3A_308 : vector<16xi1>, vector<16xi32>
    %eq3A_316 = arith.constant 5 : i32
    %eq3A_317 = vector.broadcast %eq3A_316 : i32 to vector<16xi32>
    %eq3A_318 = arith.cmpi eq, %iota3A, %eq3A_317 : vector<16xi32>
    %slice3A_319 = vector.extract_strided_slice %get3A_11 {offsets = [10], sizes = [1], strides = [1]} : vector<16xi32> to vector<1xi32>
    %squeeze3A_320 = vector.extract %slice3A_319[0] : i32 from vector<1xi32>
    %broadcast_in_dim3A_321 = vector.broadcast %squeeze3A_320 : i32 to vector<16xi32>
    %select_n3A_322 = arith.select %eq3A_318, %broadcast_in_dim3A_321, %select_n3A_315 : vector<16xi1>, vector<16xi32>
    %eq3A_323 = arith.constant 6 : i32
    %eq3A_324 = vector.broadcast %eq3A_323 : i32 to vector<16xi32>
    %eq3A_325 = arith.cmpi eq, %iota3A, %eq3A_324 : vector<16xi32>
    %slice3A_326 = vector.extract_strided_slice %get3A_11 {offsets = [12], sizes = [1], strides = [1]} : vector<16xi32> to vector<1xi32>
    %squeeze3A_327 = vector.extract %slice3A_326[0] : i32 from vector<1xi32>
    %broadcast_in_dim3A_328 = vector.broadcast %squeeze3A_327 : i32 to vector<16xi32>
    %select_n3A_329 = arith.select %eq3A_325, %broadcast_in_dim3A_328, %select_n3A_322 : vector<16xi1>, vector<16xi32>
    %eq3A_330 = arith.constant 7 : i32
    %eq3A_331 = vector.broadcast %eq3A_330 : i32 to vector<16xi32>
    %eq3A_332 = arith.cmpi eq, %iota3A, %eq3A_331 : vector<16xi32>
    %slice3A_333 = vector.extract_strided_slice %get3A_11 {offsets = [14], sizes = [1], strides = [1]} : vector<16xi32> to vector<1xi32>
    %squeeze3A_334 = vector.extract %slice3A_333[0] : i32 from vector<1xi32>
    %broadcast_in_dim3A_335 = vector.broadcast %squeeze3A_334 : i32 to vector<16xi32>
    %select_n3A_336 = arith.select %eq3A_332, %broadcast_in_dim3A_335, %select_n3A_329 : vector<16xi1>, vector<16xi32>
    %eq3A_337 = arith.constant 8 : i32
    %eq3A_338 = vector.broadcast %eq3A_337 : i32 to vector<16xi32>
    %eq3A_339 = arith.cmpi eq, %iota3A, %eq3A_338 : vector<16xi32>
    %slice3A_340 = vector.extract_strided_slice %get3A_13 {offsets = [0], sizes = [1], strides = [1]} : vector<16xi32> to vector<1xi32>
    %squeeze3A_341 = vector.extract %slice3A_340[0] : i32 from vector<1xi32>
    %broadcast_in_dim3A_342 = vector.broadcast %squeeze3A_341 : i32 to vector<16xi32>
    %select_n3A_343 = arith.select %eq3A_339, %broadcast_in_dim3A_342, %select_n3A_336 : vector<16xi1>, vector<16xi32>
    %eq3A_344 = arith.constant 9 : i32
    %eq3A_345 = vector.broadcast %eq3A_344 : i32 to vector<16xi32>
    %eq3A_346 = arith.cmpi eq, %iota3A, %eq3A_345 : vector<16xi32>
    %slice3A_347 = vector.extract_strided_slice %get3A_13 {offsets = [2], sizes = [1], strides = [1]} : vector<16xi32> to vector<1xi32>
    %squeeze3A_348 = vector.extract %slice3A_347[0] : i32 from vector<1xi32>
    %broadcast_in_dim3A_349 = vector.broadcast %squeeze3A_348 : i32 to vector<16xi32>
    %select_n3A_350 = arith.select %eq3A_346, %broadcast_in_dim3A_349, %select_n3A_343 : vector<16xi1>, vector<16xi32>
    %eq3A_351 = arith.constant 10 : i32
    %eq3A_352 = vector.broadcast %eq3A_351 : i32 to vector<16xi32>
    %eq3A_353 = arith.cmpi eq, %iota3A, %eq3A_352 : vector<16xi32>
    %slice3A_354 = vector.extract_strided_slice %get3A_13 {offsets = [4], sizes = [1], strides = [1]} : vector<16xi32> to vector<1xi32>
    %squeeze3A_355 = vector.extract %slice3A_354[0] : i32 from vector<1xi32>
    %broadcast_in_dim3A_356 = vector.broadcast %squeeze3A_355 : i32 to vector<16xi32>
    %select_n3A_357 = arith.select %eq3A_353, %broadcast_in_dim3A_356, %select_n3A_350 : vector<16xi1>, vector<16xi32>
    %eq3A_358 = arith.constant 11 : i32
    %eq3A_359 = vector.broadcast %eq3A_358 : i32 to vector<16xi32>
    %eq3A_360 = arith.cmpi eq, %iota3A, %eq3A_359 : vector<16xi32>
    %slice3A_361 = vector.extract_strided_slice %get3A_13 {offsets = [6], sizes = [1], strides = [1]} : vector<16xi32> to vector<1xi32>
    %squeeze3A_362 = vector.extract %slice3A_361[0] : i32 from vector<1xi32>
    %broadcast_in_dim3A_363 = vector.broadcast %squeeze3A_362 : i32 to vector<16xi32>
    %select_n3A_364 = arith.select %eq3A_360, %broadcast_in_dim3A_363, %select_n3A_357 : vector<16xi1>, vector<16xi32>
    %eq3A_365 = arith.constant 12 : i32
    %eq3A_366 = vector.broadcast %eq3A_365 : i32 to vector<16xi32>
    %eq3A_367 = arith.cmpi eq, %iota3A, %eq3A_366 : vector<16xi32>
    %slice3A_368 = vector.extract_strided_slice %get3A_13 {offsets = [8], sizes = [1], strides = [1]} : vector<16xi32> to vector<1xi32>
    %squeeze3A_369 = vector.extract %slice3A_368[0] : i32 from vector<1xi32>
    %broadcast_in_dim3A_370 = vector.broadcast %squeeze3A_369 : i32 to vector<16xi32>
    %select_n3A_371 = arith.select %eq3A_367, %broadcast_in_dim3A_370, %select_n3A_364 : vector<16xi1>, vector<16xi32>
    %eq3A_372 = arith.constant 13 : i32
    %eq3A_373 = vector.broadcast %eq3A_372 : i32 to vector<16xi32>
    %eq3A_374 = arith.cmpi eq, %iota3A, %eq3A_373 : vector<16xi32>
    %slice3A_375 = vector.extract_strided_slice %get3A_13 {offsets = [10], sizes = [1], strides = [1]} : vector<16xi32> to vector<1xi32>
    %squeeze3A_376 = vector.extract %slice3A_375[0] : i32 from vector<1xi32>
    %broadcast_in_dim3A_377 = vector.broadcast %squeeze3A_376 : i32 to vector<16xi32>
    %select_n3A_378 = arith.select %eq3A_374, %broadcast_in_dim3A_377, %select_n3A_371 : vector<16xi1>, vector<16xi32>
    %eq3A_379 = arith.constant 14 : i32
    %eq3A_380 = vector.broadcast %eq3A_379 : i32 to vector<16xi32>
    %eq3A_381 = arith.cmpi eq, %iota3A, %eq3A_380 : vector<16xi32>
    %slice3A_382 = vector.extract_strided_slice %get3A_13 {offsets = [12], sizes = [1], strides = [1]} : vector<16xi32> to vector<1xi32>
    %squeeze3A_383 = vector.extract %slice3A_382[0] : i32 from vector<1xi32>
    %broadcast_in_dim3A_384 = vector.broadcast %squeeze3A_383 : i32 to vector<16xi32>
    %select_n3A_385 = arith.select %eq3A_381, %broadcast_in_dim3A_384, %select_n3A_378 : vector<16xi1>, vector<16xi32>
    %eq3A_386 = arith.constant 15 : i32
    %eq3A_387 = vector.broadcast %eq3A_386 : i32 to vector<16xi32>
    %eq3A_388 = arith.cmpi eq, %iota3A, %eq3A_387 : vector<16xi32>
    %slice3A_389 = vector.extract_strided_slice %get3A_13 {offsets = [14], sizes = [1], strides = [1]} : vector<16xi32> to vector<1xi32>
    %squeeze3A_390 = vector.extract %slice3A_389[0] : i32 from vector<1xi32>
    %broadcast_in_dim3A_391 = vector.broadcast %squeeze3A_390 : i32 to vector<16xi32>
    %select_n3A_392 = arith.select %eq3A_388, %broadcast_in_dim3A_391, %select_n3A_385 : vector<16xi1>, vector<16xi32>
    %max3A_393 = arith.constant 1 : i32
    %max3A_394 = vector.broadcast %max3A_393 : i32 to vector<16xi32>
    %max3A_395 = arith.maxsi %select_n3A_392, %max3A_394 : vector<16xi32>
    %sub3A_396 = arith.constant 1 : i32
    %sub3A_397 = vector.broadcast %sub3A_396 : i32 to vector<16xi32>
    %sub3A_398 = arith.subi %max3A_395, %sub3A_397 : vector<16xi32>
    %mul3A_399 = arith.constant 262144 : i32
    %mul3A_400 = vector.broadcast %mul3A_399 : i32 to vector<16xi32>
    %mul3A_401 = arith.muli %sub3A_398, %mul3A_400 : vector<16xi32>
    %mul3A_402 = arith.constant 1024 : i32
    %mul3A_403 = arith.muli %add3A, %mul3A_402 : i32
    %add3A_404 = vector.broadcast %mul3A_403 : i32 to vector<16xi32>
    %add3A_405 = arith.addi %mul3A_401, %add3A_404 : vector<16xi32>
    %add3A_406 = arith.constant 64 : i32
    %add3A_407 = vector.broadcast %add3A_406 : i32 to vector<16xi32>
    %add3A_408 = arith.addi %add3A_405, %add3A_407 : vector<16xi32>
    %mul3A_409 = arith.constant 2 : i32
    %mul3A_410 = vector.broadcast %mul3A_409 : i32 to vector<16xi32>
    %mul3A_411 = arith.muli %mul3A_410, %iota3A : vector<16xi32>
    %add3A_412 = arith.addi %add3A_408, %mul3A_411 : vector<16xi32>
    %broadcast_in_dim3A_413 = arith.constant 0 : i32
    %broadcast_in_dim3A_414 = vector.broadcast %broadcast_in_dim3A_413 : i32 to vector<16xi32>
    %eq3A_415 = arith.constant 0 : i32
    %eq3A_416 = vector.broadcast %eq3A_415 : i32 to vector<16xi32>
    %eq3A_417 = arith.cmpi eq, %iota3A, %eq3A_416 : vector<16xi32>
    %slice3A_418 = vector.extract_strided_slice %get3A_15 {offsets = [0], sizes = [1], strides = [1]} : vector<16xi32> to vector<1xi32>
    %squeeze3A_419 = vector.extract %slice3A_418[0] : i32 from vector<1xi32>
    %broadcast_in_dim3A_420 = vector.broadcast %squeeze3A_419 : i32 to vector<16xi32>
    %select_n3A_421 = arith.select %eq3A_417, %broadcast_in_dim3A_420, %broadcast_in_dim3A_414 : vector<16xi1>, vector<16xi32>
    %eq3A_422 = arith.constant 1 : i32
    %eq3A_423 = vector.broadcast %eq3A_422 : i32 to vector<16xi32>
    %eq3A_424 = arith.cmpi eq, %iota3A, %eq3A_423 : vector<16xi32>
    %slice3A_425 = vector.extract_strided_slice %get3A_15 {offsets = [2], sizes = [1], strides = [1]} : vector<16xi32> to vector<1xi32>
    %squeeze3A_426 = vector.extract %slice3A_425[0] : i32 from vector<1xi32>
    %broadcast_in_dim3A_427 = vector.broadcast %squeeze3A_426 : i32 to vector<16xi32>
    %select_n3A_428 = arith.select %eq3A_424, %broadcast_in_dim3A_427, %select_n3A_421 : vector<16xi1>, vector<16xi32>
    %eq3A_429 = arith.constant 2 : i32
    %eq3A_430 = vector.broadcast %eq3A_429 : i32 to vector<16xi32>
    %eq3A_431 = arith.cmpi eq, %iota3A, %eq3A_430 : vector<16xi32>
    %slice3A_432 = vector.extract_strided_slice %get3A_15 {offsets = [4], sizes = [1], strides = [1]} : vector<16xi32> to vector<1xi32>
    %squeeze3A_433 = vector.extract %slice3A_432[0] : i32 from vector<1xi32>
    %broadcast_in_dim3A_434 = vector.broadcast %squeeze3A_433 : i32 to vector<16xi32>
    %select_n3A_435 = arith.select %eq3A_431, %broadcast_in_dim3A_434, %select_n3A_428 : vector<16xi1>, vector<16xi32>
    %eq3A_436 = arith.constant 3 : i32
    %eq3A_437 = vector.broadcast %eq3A_436 : i32 to vector<16xi32>
    %eq3A_438 = arith.cmpi eq, %iota3A, %eq3A_437 : vector<16xi32>
    %slice3A_439 = vector.extract_strided_slice %get3A_15 {offsets = [6], sizes = [1], strides = [1]} : vector<16xi32> to vector<1xi32>
    %squeeze3A_440 = vector.extract %slice3A_439[0] : i32 from vector<1xi32>
    %broadcast_in_dim3A_441 = vector.broadcast %squeeze3A_440 : i32 to vector<16xi32>
    %select_n3A_442 = arith.select %eq3A_438, %broadcast_in_dim3A_441, %select_n3A_435 : vector<16xi1>, vector<16xi32>
    %eq3A_443 = arith.constant 4 : i32
    %eq3A_444 = vector.broadcast %eq3A_443 : i32 to vector<16xi32>
    %eq3A_445 = arith.cmpi eq, %iota3A, %eq3A_444 : vector<16xi32>
    %slice3A_446 = vector.extract_strided_slice %get3A_15 {offsets = [8], sizes = [1], strides = [1]} : vector<16xi32> to vector<1xi32>
    %squeeze3A_447 = vector.extract %slice3A_446[0] : i32 from vector<1xi32>
    %broadcast_in_dim3A_448 = vector.broadcast %squeeze3A_447 : i32 to vector<16xi32>
    %select_n3A_449 = arith.select %eq3A_445, %broadcast_in_dim3A_448, %select_n3A_442 : vector<16xi1>, vector<16xi32>
    %eq3A_450 = arith.constant 5 : i32
    %eq3A_451 = vector.broadcast %eq3A_450 : i32 to vector<16xi32>
    %eq3A_452 = arith.cmpi eq, %iota3A, %eq3A_451 : vector<16xi32>
    %slice3A_453 = vector.extract_strided_slice %get3A_15 {offsets = [10], sizes = [1], strides = [1]} : vector<16xi32> to vector<1xi32>
    %squeeze3A_454 = vector.extract %slice3A_453[0] : i32 from vector<1xi32>
    %broadcast_in_dim3A_455 = vector.broadcast %squeeze3A_454 : i32 to vector<16xi32>
    %select_n3A_456 = arith.select %eq3A_452, %broadcast_in_dim3A_455, %select_n3A_449 : vector<16xi1>, vector<16xi32>
    %eq3A_457 = arith.constant 6 : i32
    %eq3A_458 = vector.broadcast %eq3A_457 : i32 to vector<16xi32>
    %eq3A_459 = arith.cmpi eq, %iota3A, %eq3A_458 : vector<16xi32>
    %slice3A_460 = vector.extract_strided_slice %get3A_15 {offsets = [12], sizes = [1], strides = [1]} : vector<16xi32> to vector<1xi32>
    %squeeze3A_461 = vector.extract %slice3A_460[0] : i32 from vector<1xi32>
    %broadcast_in_dim3A_462 = vector.broadcast %squeeze3A_461 : i32 to vector<16xi32>
    %select_n3A_463 = arith.select %eq3A_459, %broadcast_in_dim3A_462, %select_n3A_456 : vector<16xi1>, vector<16xi32>
    %eq3A_464 = arith.constant 7 : i32
    %eq3A_465 = vector.broadcast %eq3A_464 : i32 to vector<16xi32>
    %eq3A_466 = arith.cmpi eq, %iota3A, %eq3A_465 : vector<16xi32>
    %slice3A_467 = vector.extract_strided_slice %get3A_15 {offsets = [14], sizes = [1], strides = [1]} : vector<16xi32> to vector<1xi32>
    %squeeze3A_468 = vector.extract %slice3A_467[0] : i32 from vector<1xi32>
    %broadcast_in_dim3A_469 = vector.broadcast %squeeze3A_468 : i32 to vector<16xi32>
    %select_n3A_470 = arith.select %eq3A_466, %broadcast_in_dim3A_469, %select_n3A_463 : vector<16xi1>, vector<16xi32>
    %eq3A_471 = arith.constant 8 : i32
    %eq3A_472 = vector.broadcast %eq3A_471 : i32 to vector<16xi32>
    %eq3A_473 = arith.cmpi eq, %iota3A, %eq3A_472 : vector<16xi32>
    %slice3A_474 = vector.extract_strided_slice %get3A_17 {offsets = [0], sizes = [1], strides = [1]} : vector<16xi32> to vector<1xi32>
    %squeeze3A_475 = vector.extract %slice3A_474[0] : i32 from vector<1xi32>
    %broadcast_in_dim3A_476 = vector.broadcast %squeeze3A_475 : i32 to vector<16xi32>
    %select_n3A_477 = arith.select %eq3A_473, %broadcast_in_dim3A_476, %select_n3A_470 : vector<16xi1>, vector<16xi32>
    %eq3A_478 = arith.constant 9 : i32
    %eq3A_479 = vector.broadcast %eq3A_478 : i32 to vector<16xi32>
    %eq3A_480 = arith.cmpi eq, %iota3A, %eq3A_479 : vector<16xi32>
    %slice3A_481 = vector.extract_strided_slice %get3A_17 {offsets = [2], sizes = [1], strides = [1]} : vector<16xi32> to vector<1xi32>
    %squeeze3A_482 = vector.extract %slice3A_481[0] : i32 from vector<1xi32>
    %broadcast_in_dim3A_483 = vector.broadcast %squeeze3A_482 : i32 to vector<16xi32>
    %select_n3A_484 = arith.select %eq3A_480, %broadcast_in_dim3A_483, %select_n3A_477 : vector<16xi1>, vector<16xi32>
    %eq3A_485 = arith.constant 10 : i32
    %eq3A_486 = vector.broadcast %eq3A_485 : i32 to vector<16xi32>
    %eq3A_487 = arith.cmpi eq, %iota3A, %eq3A_486 : vector<16xi32>
    %slice3A_488 = vector.extract_strided_slice %get3A_17 {offsets = [4], sizes = [1], strides = [1]} : vector<16xi32> to vector<1xi32>
    %squeeze3A_489 = vector.extract %slice3A_488[0] : i32 from vector<1xi32>
    %broadcast_in_dim3A_490 = vector.broadcast %squeeze3A_489 : i32 to vector<16xi32>
    %select_n3A_491 = arith.select %eq3A_487, %broadcast_in_dim3A_490, %select_n3A_484 : vector<16xi1>, vector<16xi32>
    %eq3A_492 = arith.constant 11 : i32
    %eq3A_493 = vector.broadcast %eq3A_492 : i32 to vector<16xi32>
    %eq3A_494 = arith.cmpi eq, %iota3A, %eq3A_493 : vector<16xi32>
    %slice3A_495 = vector.extract_strided_slice %get3A_17 {offsets = [6], sizes = [1], strides = [1]} : vector<16xi32> to vector<1xi32>
    %squeeze3A_496 = vector.extract %slice3A_495[0] : i32 from vector<1xi32>
    %broadcast_in_dim3A_497 = vector.broadcast %squeeze3A_496 : i32 to vector<16xi32>
    %select_n3A_498 = arith.select %eq3A_494, %broadcast_in_dim3A_497, %select_n3A_491 : vector<16xi1>, vector<16xi32>
    %eq3A_499 = arith.constant 12 : i32
    %eq3A_500 = vector.broadcast %eq3A_499 : i32 to vector<16xi32>
    %eq3A_501 = arith.cmpi eq, %iota3A, %eq3A_500 : vector<16xi32>
    %slice3A_502 = vector.extract_strided_slice %get3A_17 {offsets = [8], sizes = [1], strides = [1]} : vector<16xi32> to vector<1xi32>
    %squeeze3A_503 = vector.extract %slice3A_502[0] : i32 from vector<1xi32>
    %broadcast_in_dim3A_504 = vector.broadcast %squeeze3A_503 : i32 to vector<16xi32>
    %select_n3A_505 = arith.select %eq3A_501, %broadcast_in_dim3A_504, %select_n3A_498 : vector<16xi1>, vector<16xi32>
    %eq3A_506 = arith.constant 13 : i32
    %eq3A_507 = vector.broadcast %eq3A_506 : i32 to vector<16xi32>
    %eq3A_508 = arith.cmpi eq, %iota3A, %eq3A_507 : vector<16xi32>
    %slice3A_509 = vector.extract_strided_slice %get3A_17 {offsets = [10], sizes = [1], strides = [1]} : vector<16xi32> to vector<1xi32>
    %squeeze3A_510 = vector.extract %slice3A_509[0] : i32 from vector<1xi32>
    %broadcast_in_dim3A_511 = vector.broadcast %squeeze3A_510 : i32 to vector<16xi32>
    %select_n3A_512 = arith.select %eq3A_508, %broadcast_in_dim3A_511, %select_n3A_505 : vector<16xi1>, vector<16xi32>
    %eq3A_513 = arith.constant 14 : i32
    %eq3A_514 = vector.broadcast %eq3A_513 : i32 to vector<16xi32>
    %eq3A_515 = arith.cmpi eq, %iota3A, %eq3A_514 : vector<16xi32>
    %slice3A_516 = vector.extract_strided_slice %get3A_17 {offsets = [12], sizes = [1], strides = [1]} : vector<16xi32> to vector<1xi32>
    %squeeze3A_517 = vector.extract %slice3A_516[0] : i32 from vector<1xi32>
    %broadcast_in_dim3A_518 = vector.broadcast %squeeze3A_517 : i32 to vector<16xi32>
    %select_n3A_519 = arith.select %eq3A_515, %broadcast_in_dim3A_518, %select_n3A_512 : vector<16xi1>, vector<16xi32>
    %eq3A_520 = arith.constant 15 : i32
    %eq3A_521 = vector.broadcast %eq3A_520 : i32 to vector<16xi32>
    %eq3A_522 = arith.cmpi eq, %iota3A, %eq3A_521 : vector<16xi32>
    %slice3A_523 = vector.extract_strided_slice %get3A_17 {offsets = [14], sizes = [1], strides = [1]} : vector<16xi32> to vector<1xi32>
    %squeeze3A_524 = vector.extract %slice3A_523[0] : i32 from vector<1xi32>
    %broadcast_in_dim3A_525 = vector.broadcast %squeeze3A_524 : i32 to vector<16xi32>
    %select_n3A_526 = arith.select %eq3A_522, %broadcast_in_dim3A_525, %select_n3A_519 : vector<16xi1>, vector<16xi32>
    %max3A_527 = arith.constant 1 : i32
    %max3A_528 = vector.broadcast %max3A_527 : i32 to vector<16xi32>
    %max3A_529 = arith.maxsi %select_n3A_526, %max3A_528 : vector<16xi32>
    %sub3A_530 = arith.constant 1 : i32
    %sub3A_531 = vector.broadcast %sub3A_530 : i32 to vector<16xi32>
    %sub3A_532 = arith.subi %max3A_529, %sub3A_531 : vector<16xi32>
    %mul3A_533 = arith.constant 262144 : i32
    %mul3A_534 = vector.broadcast %mul3A_533 : i32 to vector<16xi32>
    %mul3A_535 = arith.muli %sub3A_532, %mul3A_534 : vector<16xi32>
    %mul3A_536 = arith.constant 1024 : i32
    %mul3A_537 = arith.muli %add3A, %mul3A_536 : i32
    %add3A_538 = vector.broadcast %mul3A_537 : i32 to vector<16xi32>
    %add3A_539 = arith.addi %mul3A_535, %add3A_538 : vector<16xi32>
    %add3A_540 = arith.constant 96 : i32
    %add3A_541 = vector.broadcast %add3A_540 : i32 to vector<16xi32>
    %add3A_542 = arith.addi %add3A_539, %add3A_541 : vector<16xi32>
    %mul3A_543 = arith.constant 2 : i32
    %mul3A_544 = vector.broadcast %mul3A_543 : i32 to vector<16xi32>
    %mul3A_545 = arith.muli %mul3A_544, %iota3A : vector<16xi32>
    %add3A_546 = arith.addi %add3A_542, %mul3A_545 : vector<16xi32>
    %min3A = arith.minsi %sub3A_130, %sub3A_264 : vector<16xi32>
    %min3A_547 = arith.minsi %sub3A_398, %sub3A_532 : vector<16xi32>
    %min3A_548 = arith.minsi %min3A, %min3A_547 : vector<16xi32>
    %reduce_min3A = arith.constant true
    %reduce_min3A_549 = vector.broadcast %reduce_min3A : i1 to vector<16xi1>
    %reduce_min3A_550 = arith.constant -2147483648 : i32
    %reduce_min3A_551 = vector.broadcast %reduce_min3A_550 : i32 to vector<16xi32>
    %reduce_min3A_552 = arith.xori %min3A_548, %reduce_min3A_551 : vector<16xi32>
    %reduce_min3A_553 = tpu.scan <min>, %reduce_min3A_552 masked %reduce_min3A_549 : vector<16xi32>, vector<16xi1> -> vector<16xi32>
    %reduce_min3A_554 = arith.xori %reduce_min3A_553, %reduce_min3A_551 : vector<16xi32>
    %reduce_min3A_555 = vector.extract %reduce_min3A_554[15] : i32 from vector<16xi32>
    %max3A_556 = arith.maxsi %sub3A_130, %sub3A_264 : vector<16xi32>
    %max3A_557 = arith.maxsi %sub3A_398, %sub3A_532 : vector<16xi32>
    %max3A_558 = arith.maxsi %max3A_556, %max3A_557 : vector<16xi32>
    %reduce_max3A = arith.constant true
    %reduce_max3A_559 = vector.broadcast %reduce_max3A : i1 to vector<16xi1>
    %reduce_max3A_560 = arith.constant -2147483648 : i32
    %reduce_max3A_561 = vector.broadcast %reduce_max3A_560 : i32 to vector<16xi32>
    %reduce_max3A_562 = arith.xori %max3A_558, %reduce_max3A_561 : vector<16xi32>
    %reduce_max3A_563 = tpu.scan <max>, %reduce_max3A_562 masked %reduce_max3A_559 : vector<16xi32>, vector<16xi1> -> vector<16xi32>
    %reduce_max3A_564 = arith.xori %reduce_max3A_563, %reduce_max3A_561 : vector<16xi32>
    %reduce_max3A_565 = vector.extract %reduce_max3A_564[15] : i32 from vector<16xi32>
    %eq3A_566 = arith.cmpi eq, %reduce_min3A_555, %reduce_max3A_565 : i32
    %convert_element_type3A = arith.extui %eq3A_566 : i1 to i32
    %cond3A = arith.constant 0 : i32
    %cond3A_567 = arith.cmpi ne, %convert_element_type3A, %cond3A : i32
    scf.if %cond3A_567 {
      %mul3A_578 = arith.constant 262144 : i32
      %mul3A_579 = arith.muli %reduce_min3A_555, %mul3A_578 : i32
      %mul3A_580 = arith.constant 1024 : i32
      %mul3A_581 = arith.muli %add3A, %mul3A_580 : i32
      %add3A_582 = arith.addi %mul3A_579, %mul3A_581 : i32
      %add3A_583 = arith.constant 0 : i32
      %add3A_584 = arith.addi %add3A_582, %add3A_583 : i32
      %run_scoped3A = arith.constant 0 : i32
      "tpu.region"() ({
        %run_scoped3A_624 = tpu.sem_alloc : memref<!tpu.dma_semaphore, #tpu.memory_space<semaphore_mem>>
        %dma_start3A = arith.constant 0 : i32
        %dma_start3A_625 = tpu.memref_slice %arg7[%run_scoped3A, %dma_start3A] : memref<8x1024xf32, #tpu.memory_space<vmem>> -> memref<1x1024xf32, #tpu.memory_space<vmem>>
        %dma_start3A_626 = tpu.memref_squeeze %dma_start3A_625 : memref<1x1024xf32, #tpu.memory_space<vmem>> -> memref<1024xf32, #tpu.memory_space<vmem>>
        %dma_start3A_627 = tpu.memref_slice %arg3[%add3A_584] : memref<52428800xf32, #tpu.memory_space<hbm>> -> memref<1024xf32, #tpu.memory_space<hbm>>
        %dma_start3A_628 = arith.constant 0 : i32
        %dma_start3A_629 = tpu.memref_slice %arg7[%run_scoped3A, %dma_start3A_628] : memref<8x1024xf32, #tpu.memory_space<vmem>> -> memref<1x1024xf32, #tpu.memory_space<vmem>>
        %dma_start3A_630 = tpu.memref_squeeze %dma_start3A_629 : memref<1x1024xf32, #tpu.memory_space<vmem>> -> memref<1024xf32, #tpu.memory_space<vmem>>
        %dma_start3A_631 = tpu.memref_slice %arg3[%add3A_584] : memref<52428800xf32, #tpu.memory_space<hbm>> -> memref<1024xf32, #tpu.memory_space<hbm>>
        tpu.enqueue_dma source(%dma_start3A_631 : memref<1024xf32, #tpu.memory_space<hbm>>) target(%dma_start3A_630 : memref<1024xf32, #tpu.memory_space<vmem>>) target_semaphore(%run_scoped3A_624 : memref<!tpu.dma_semaphore, #tpu.memory_space<semaphore_mem>>)
        %dma_wait3A = arith.constant 0 : i32
        %dma_wait3A_632 = tpu.memref_slice %arg7[%run_scoped3A, %dma_wait3A] : memref<8x1024xf32, #tpu.memory_space<vmem>> -> memref<1x1024xf32, #tpu.memory_space<vmem>>
        %dma_wait3A_633 = tpu.memref_squeeze %dma_wait3A_632 : memref<1x1024xf32, #tpu.memory_space<vmem>> -> memref<1024xf32, #tpu.memory_space<vmem>>
        %dma_wait3A_634 = tpu.memref_slice %arg3[%add3A_584] : memref<52428800xf32, #tpu.memory_space<hbm>> -> memref<1024xf32, #tpu.memory_space<hbm>>
        %dma_wait3A_635 = arith.constant 0 : i32
        %dma_wait3A_636 = tpu.memref_slice %arg7[%run_scoped3A, %dma_wait3A_635] : memref<8x1024xf32, #tpu.memory_space<vmem>> -> memref<1x1024xf32, #tpu.memory_space<vmem>>
        %dma_wait3A_637 = tpu.memref_squeeze %dma_wait3A_636 : memref<1x1024xf32, #tpu.memory_space<vmem>> -> memref<1024xf32, #tpu.memory_space<vmem>>
        %dma_wait3A_638 = tpu.memref_slice %arg3[%add3A_584] : memref<52428800xf32, #tpu.memory_space<hbm>> -> memref<1024xf32, #tpu.memory_space<hbm>>
        tpu.wait_dma2 semaphore(%run_scoped3A_624 : memref<!tpu.dma_semaphore, #tpu.memory_space<semaphore_mem>>) src(%dma_wait3A_638 : memref<1024xf32, #tpu.memory_space<hbm>>) dst(%dma_wait3A_637 : memref<1024xf32, #tpu.memory_space<vmem>>)
        tpu.yield
      }) : () -> ()
      %add3A_585 = arith.constant 32768 : i32
      %add3A_586 = arith.addi %add3A_582, %add3A_585 : i32
      %run_scoped3A_587 = arith.constant 1 : i32
      "tpu.region"() ({
        %run_scoped3A_624 = tpu.sem_alloc : memref<!tpu.dma_semaphore, #tpu.memory_space<semaphore_mem>>
        %dma_start3A = arith.constant 0 : i32
        %dma_start3A_625 = tpu.memref_slice %arg7[%run_scoped3A_587, %dma_start3A] : memref<8x1024xf32, #tpu.memory_space<vmem>> -> memref<1x1024xf32, #tpu.memory_space<vmem>>
        %dma_start3A_626 = tpu.memref_squeeze %dma_start3A_625 : memref<1x1024xf32, #tpu.memory_space<vmem>> -> memref<1024xf32, #tpu.memory_space<vmem>>
        %dma_start3A_627 = tpu.memref_slice %arg3[%add3A_586] : memref<52428800xf32, #tpu.memory_space<hbm>> -> memref<1024xf32, #tpu.memory_space<hbm>>
        %dma_start3A_628 = arith.constant 0 : i32
        %dma_start3A_629 = tpu.memref_slice %arg7[%run_scoped3A_587, %dma_start3A_628] : memref<8x1024xf32, #tpu.memory_space<vmem>> -> memref<1x1024xf32, #tpu.memory_space<vmem>>
        %dma_start3A_630 = tpu.memref_squeeze %dma_start3A_629 : memref<1x1024xf32, #tpu.memory_space<vmem>> -> memref<1024xf32, #tpu.memory_space<vmem>>
        %dma_start3A_631 = tpu.memref_slice %arg3[%add3A_586] : memref<52428800xf32, #tpu.memory_space<hbm>> -> memref<1024xf32, #tpu.memory_space<hbm>>
        tpu.enqueue_dma source(%dma_start3A_631 : memref<1024xf32, #tpu.memory_space<hbm>>) target(%dma_start3A_630 : memref<1024xf32, #tpu.memory_space<vmem>>) target_semaphore(%run_scoped3A_624 : memref<!tpu.dma_semaphore, #tpu.memory_space<semaphore_mem>>)
        %dma_wait3A = arith.constant 0 : i32
        %dma_wait3A_632 = tpu.memref_slice %arg7[%run_scoped3A_587, %dma_wait3A] : memref<8x1024xf32, #tpu.memory_space<vmem>> -> memref<1x1024xf32, #tpu.memory_space<vmem>>
        %dma_wait3A_633 = tpu.memref_squeeze %dma_wait3A_632 : memref<1x1024xf32, #tpu.memory_space<vmem>> -> memref<1024xf32, #tpu.memory_space<vmem>>
        %dma_wait3A_634 = tpu.memref_slice %arg3[%add3A_586] : memref<52428800xf32, #tpu.memory_space<hbm>> -> memref<1024xf32, #tpu.memory_space<hbm>>
        %dma_wait3A_635 = arith.constant 0 : i32
        %dma_wait3A_636 = tpu.memref_slice %arg7[%run_scoped3A_587, %dma_wait3A_635] : memref<8x1024xf32, #tpu.memory_space<vmem>> -> memref<1x1024xf32, #tpu.memory_space<vmem>>
        %dma_wait3A_637 = tpu.memref_squeeze %dma_wait3A_636 : memref<1x1024xf32, #tpu.memory_space<vmem>> -> memref<1024xf32, #tpu.memory_space<vmem>>
        %dma_wait3A_638 = tpu.memref_slice %arg3[%add3A_586] : memref<52428800xf32, #tpu.memory_space<hbm>> -> memref<1024xf32, #tpu.memory_space<hbm>>
        tpu.wait_dma2 semaphore(%run_scoped3A_624 : memref<!tpu.dma_semaphore, #tpu.memory_space<semaphore_mem>>) src(%dma_wait3A_638 : memref<1024xf32, #tpu.memory_space<hbm>>) dst(%dma_wait3A_637 : memref<1024xf32, #tpu.memory_space<vmem>>)
        tpu.yield
      }) : () -> ()
      %add3A_588 = arith.constant 65536 : i32
      %add3A_589 = arith.addi %add3A_582, %add3A_588 : i32
      %run_scoped3A_590 = arith.constant 2 : i32
      "tpu.region"() ({
        %run_scoped3A_624 = tpu.sem_alloc : memref<!tpu.dma_semaphore, #tpu.memory_space<semaphore_mem>>
        %dma_start3A = arith.constant 0 : i32
        %dma_start3A_625 = tpu.memref_slice %arg7[%run_scoped3A_590, %dma_start3A] : memref<8x1024xf32, #tpu.memory_space<vmem>> -> memref<1x1024xf32, #tpu.memory_space<vmem>>
        %dma_start3A_626 = tpu.memref_squeeze %dma_start3A_625 : memref<1x1024xf32, #tpu.memory_space<vmem>> -> memref<1024xf32, #tpu.memory_space<vmem>>
        %dma_start3A_627 = tpu.memref_slice %arg3[%add3A_589] : memref<52428800xf32, #tpu.memory_space<hbm>> -> memref<1024xf32, #tpu.memory_space<hbm>>
        %dma_start3A_628 = arith.constant 0 : i32
        %dma_start3A_629 = tpu.memref_slice %arg7[%run_scoped3A_590, %dma_start3A_628] : memref<8x1024xf32, #tpu.memory_space<vmem>> -> memref<1x1024xf32, #tpu.memory_space<vmem>>
        %dma_start3A_630 = tpu.memref_squeeze %dma_start3A_629 : memref<1x1024xf32, #tpu.memory_space<vmem>> -> memref<1024xf32, #tpu.memory_space<vmem>>
        %dma_start3A_631 = tpu.memref_slice %arg3[%add3A_589] : memref<52428800xf32, #tpu.memory_space<hbm>> -> memref<1024xf32, #tpu.memory_space<hbm>>
        tpu.enqueue_dma source(%dma_start3A_631 : memref<1024xf32, #tpu.memory_space<hbm>>) target(%dma_start3A_630 : memref<1024xf32, #tpu.memory_space<vmem>>) target_semaphore(%run_scoped3A_624 : memref<!tpu.dma_semaphore, #tpu.memory_space<semaphore_mem>>)
        %dma_wait3A = arith.constant 0 : i32
        %dma_wait3A_632 = tpu.memref_slice %arg7[%run_scoped3A_590, %dma_wait3A] : memref<8x1024xf32, #tpu.memory_space<vmem>> -> memref<1x1024xf32, #tpu.memory_space<vmem>>
        %dma_wait3A_633 = tpu.memref_squeeze %dma_wait3A_632 : memref<1x1024xf32, #tpu.memory_space<vmem>> -> memref<1024xf32, #tpu.memory_space<vmem>>
        %dma_wait3A_634 = tpu.memref_slice %arg3[%add3A_589] : memref<52428800xf32, #tpu.memory_space<hbm>> -> memref<1024xf32, #tpu.memory_space<hbm>>
        %dma_wait3A_635 = arith.constant 0 : i32
        %dma_wait3A_636 = tpu.memref_slice %arg7[%run_scoped3A_590, %dma_wait3A_635] : memref<8x1024xf32, #tpu.memory_space<vmem>> -> memref<1x1024xf32, #tpu.memory_space<vmem>>
        %dma_wait3A_637 = tpu.memref_squeeze %dma_wait3A_636 : memref<1x1024xf32, #tpu.memory_space<vmem>> -> memref<1024xf32, #tpu.memory_space<vmem>>
        %dma_wait3A_638 = tpu.memref_slice %arg3[%add3A_589] : memref<52428800xf32, #tpu.memory_space<hbm>> -> memref<1024xf32, #tpu.memory_space<hbm>>
        tpu.wait_dma2 semaphore(%run_scoped3A_624 : memref<!tpu.dma_semaphore, #tpu.memory_space<semaphore_mem>>) src(%dma_wait3A_638 : memref<1024xf32, #tpu.memory_space<hbm>>) dst(%dma_wait3A_637 : memref<1024xf32, #tpu.memory_space<vmem>>)
        tpu.yield
      }) : () -> ()
      %add3A_591 = arith.constant 98304 : i32
      %add3A_592 = arith.addi %add3A_582, %add3A_591 : i32
      %run_scoped3A_593 = arith.constant 3 : i32
      "tpu.region"() ({
        %run_scoped3A_624 = tpu.sem_alloc : memref<!tpu.dma_semaphore, #tpu.memory_space<semaphore_mem>>
        %dma_start3A = arith.constant 0 : i32
        %dma_start3A_625 = tpu.memref_slice %arg7[%run_scoped3A_593, %dma_start3A] : memref<8x1024xf32, #tpu.memory_space<vmem>> -> memref<1x1024xf32, #tpu.memory_space<vmem>>
        %dma_start3A_626 = tpu.memref_squeeze %dma_start3A_625 : memref<1x1024xf32, #tpu.memory_space<vmem>> -> memref<1024xf32, #tpu.memory_space<vmem>>
        %dma_start3A_627 = tpu.memref_slice %arg3[%add3A_592] : memref<52428800xf32, #tpu.memory_space<hbm>> -> memref<1024xf32, #tpu.memory_space<hbm>>
        %dma_start3A_628 = arith.constant 0 : i32
        %dma_start3A_629 = tpu.memref_slice %arg7[%run_scoped3A_593, %dma_start3A_628] : memref<8x1024xf32, #tpu.memory_space<vmem>> -> memref<1x1024xf32, #tpu.memory_space<vmem>>
        %dma_start3A_630 = tpu.memref_squeeze %dma_start3A_629 : memref<1x1024xf32, #tpu.memory_space<vmem>> -> memref<1024xf32, #tpu.memory_space<vmem>>
        %dma_start3A_631 = tpu.memref_slice %arg3[%add3A_592] : memref<52428800xf32, #tpu.memory_space<hbm>> -> memref<1024xf32, #tpu.memory_space<hbm>>
        tpu.enqueue_dma source(%dma_start3A_631 : memref<1024xf32, #tpu.memory_space<hbm>>) target(%dma_start3A_630 : memref<1024xf32, #tpu.memory_space<vmem>>) target_semaphore(%run_scoped3A_624 : memref<!tpu.dma_semaphore, #tpu.memory_space<semaphore_mem>>)
        %dma_wait3A = arith.constant 0 : i32
        %dma_wait3A_632 = tpu.memref_slice %arg7[%run_scoped3A_593, %dma_wait3A] : memref<8x1024xf32, #tpu.memory_space<vmem>> -> memref<1x1024xf32, #tpu.memory_space<vmem>>
        %dma_wait3A_633 = tpu.memref_squeeze %dma_wait3A_632 : memref<1x1024xf32, #tpu.memory_space<vmem>> -> memref<1024xf32, #tpu.memory_space<vmem>>
        %dma_wait3A_634 = tpu.memref_slice %arg3[%add3A_592] : memref<52428800xf32, #tpu.memory_space<hbm>> -> memref<1024xf32, #tpu.memory_space<hbm>>
        %dma_wait3A_635 = arith.constant 0 : i32
        %dma_wait3A_636 = tpu.memref_slice %arg7[%run_scoped3A_593, %dma_wait3A_635] : memref<8x1024xf32, #tpu.memory_space<vmem>> -> memref<1x1024xf32, #tpu.memory_space<vmem>>
        %dma_wait3A_637 = tpu.memref_squeeze %dma_wait3A_636 : memref<1x1024xf32, #tpu.memory_space<vmem>> -> memref<1024xf32, #tpu.memory_space<vmem>>
        %dma_wait3A_638 = tpu.memref_slice %arg3[%add3A_592] : memref<52428800xf32, #tpu.memory_space<hbm>> -> memref<1024xf32, #tpu.memory_space<hbm>>
        tpu.wait_dma2 semaphore(%run_scoped3A_624 : memref<!tpu.dma_semaphore, #tpu.memory_space<semaphore_mem>>) src(%dma_wait3A_638 : memref<1024xf32, #tpu.memory_space<hbm>>) dst(%dma_wait3A_637 : memref<1024xf32, #tpu.memory_space<vmem>>)
        tpu.yield
      }) : () -> ()
      %add3A_594 = arith.constant 131072 : i32
      %add3A_595 = arith.addi %add3A_582, %add3A_594 : i32
      %run_scoped3A_596 = arith.constant 4 : i32
      "tpu.region"() ({
        %run_scoped3A_624 = tpu.sem_alloc : memref<!tpu.dma_semaphore, #tpu.memory_space<semaphore_mem>>
        %dma_start3A = arith.constant 0 : i32
        %dma_start3A_625 = tpu.memref_slice %arg7[%run_scoped3A_596, %dma_start3A] : memref<8x1024xf32, #tpu.memory_space<vmem>> -> memref<1x1024xf32, #tpu.memory_space<vmem>>
        %dma_start3A_626 = tpu.memref_squeeze %dma_start3A_625 : memref<1x1024xf32, #tpu.memory_space<vmem>> -> memref<1024xf32, #tpu.memory_space<vmem>>
        %dma_start3A_627 = tpu.memref_slice %arg3[%add3A_595] : memref<52428800xf32, #tpu.memory_space<hbm>> -> memref<1024xf32, #tpu.memory_space<hbm>>
        %dma_start3A_628 = arith.constant 0 : i32
        %dma_start3A_629 = tpu.memref_slice %arg7[%run_scoped3A_596, %dma_start3A_628] : memref<8x1024xf32, #tpu.memory_space<vmem>> -> memref<1x1024xf32, #tpu.memory_space<vmem>>
        %dma_start3A_630 = tpu.memref_squeeze %dma_start3A_629 : memref<1x1024xf32, #tpu.memory_space<vmem>> -> memref<1024xf32, #tpu.memory_space<vmem>>
        %dma_start3A_631 = tpu.memref_slice %arg3[%add3A_595] : memref<52428800xf32, #tpu.memory_space<hbm>> -> memref<1024xf32, #tpu.memory_space<hbm>>
        tpu.enqueue_dma source(%dma_start3A_631 : memref<1024xf32, #tpu.memory_space<hbm>>) target(%dma_start3A_630 : memref<1024xf32, #tpu.memory_space<vmem>>) target_semaphore(%run_scoped3A_624 : memref<!tpu.dma_semaphore, #tpu.memory_space<semaphore_mem>>)
        %dma_wait3A = arith.constant 0 : i32
        %dma_wait3A_632 = tpu.memref_slice %arg7[%run_scoped3A_596, %dma_wait3A] : memref<8x1024xf32, #tpu.memory_space<vmem>> -> memref<1x1024xf32, #tpu.memory_space<vmem>>
        %dma_wait3A_633 = tpu.memref_squeeze %dma_wait3A_632 : memref<1x1024xf32, #tpu.memory_space<vmem>> -> memref<1024xf32, #tpu.memory_space<vmem>>
        %dma_wait3A_634 = tpu.memref_slice %arg3[%add3A_595] : memref<52428800xf32, #tpu.memory_space<hbm>> -> memref<1024xf32, #tpu.memory_space<hbm>>
        %dma_wait3A_635 = arith.constant 0 : i32
        %dma_wait3A_636 = tpu.memref_slice %arg7[%run_scoped3A_596, %dma_wait3A_635] : memref<8x1024xf32, #tpu.memory_space<vmem>> -> memref<1x1024xf32, #tpu.memory_space<vmem>>
        %dma_wait3A_637 = tpu.memref_squeeze %dma_wait3A_636 : memref<1x1024xf32, #tpu.memory_space<vmem>> -> memref<1024xf32, #tpu.memory_space<vmem>>
        %dma_wait3A_638 = tpu.memref_slice %arg3[%add3A_595] : memref<52428800xf32, #tpu.memory_space<hbm>> -> memref<1024xf32, #tpu.memory_space<hbm>>
        tpu.wait_dma2 semaphore(%run_scoped3A_624 : memref<!tpu.dma_semaphore, #tpu.memory_space<semaphore_mem>>) src(%dma_wait3A_638 : memref<1024xf32, #tpu.memory_space<hbm>>) dst(%dma_wait3A_637 : memref<1024xf32, #tpu.memory_space<vmem>>)
        tpu.yield
      }) : () -> ()
      %add3A_597 = arith.constant 163840 : i32
      %add3A_598 = arith.addi %add3A_582, %add3A_597 : i32
      %run_scoped3A_599 = arith.constant 5 : i32
      "tpu.region"() ({
        %run_scoped3A_624 = tpu.sem_alloc : memref<!tpu.dma_semaphore, #tpu.memory_space<semaphore_mem>>
        %dma_start3A = arith.constant 0 : i32
        %dma_start3A_625 = tpu.memref_slice %arg7[%run_scoped3A_599, %dma_start3A] : memref<8x1024xf32, #tpu.memory_space<vmem>> -> memref<1x1024xf32, #tpu.memory_space<vmem>>
        %dma_start3A_626 = tpu.memref_squeeze %dma_start3A_625 : memref<1x1024xf32, #tpu.memory_space<vmem>> -> memref<1024xf32, #tpu.memory_space<vmem>>
        %dma_start3A_627 = tpu.memref_slice %arg3[%add3A_598] : memref<52428800xf32, #tpu.memory_space<hbm>> -> memref<1024xf32, #tpu.memory_space<hbm>>
        %dma_start3A_628 = arith.constant 0 : i32
        %dma_start3A_629 = tpu.memref_slice %arg7[%run_scoped3A_599, %dma_start3A_628] : memref<8x1024xf32, #tpu.memory_space<vmem>> -> memref<1x1024xf32, #tpu.memory_space<vmem>>
        %dma_start3A_630 = tpu.memref_squeeze %dma_start3A_629 : memref<1x1024xf32, #tpu.memory_space<vmem>> -> memref<1024xf32, #tpu.memory_space<vmem>>
        %dma_start3A_631 = tpu.memref_slice %arg3[%add3A_598] : memref<52428800xf32, #tpu.memory_space<hbm>> -> memref<1024xf32, #tpu.memory_space<hbm>>
        tpu.enqueue_dma source(%dma_start3A_631 : memref<1024xf32, #tpu.memory_space<hbm>>) target(%dma_start3A_630 : memref<1024xf32, #tpu.memory_space<vmem>>) target_semaphore(%run_scoped3A_624 : memref<!tpu.dma_semaphore, #tpu.memory_space<semaphore_mem>>)
        %dma_wait3A = arith.constant 0 : i32
        %dma_wait3A_632 = tpu.memref_slice %arg7[%run_scoped3A_599, %dma_wait3A] : memref<8x1024xf32, #tpu.memory_space<vmem>> -> memref<1x1024xf32, #tpu.memory_space<vmem>>
        %dma_wait3A_633 = tpu.memref_squeeze %dma_wait3A_632 : memref<1x1024xf32, #tpu.memory_space<vmem>> -> memref<1024xf32, #tpu.memory_space<vmem>>
        %dma_wait3A_634 = tpu.memref_slice %arg3[%add3A_598] : memref<52428800xf32, #tpu.memory_space<hbm>> -> memref<1024xf32, #tpu.memory_space<hbm>>
        %dma_wait3A_635 = arith.constant 0 : i32
        %dma_wait3A_636 = tpu.memref_slice %arg7[%run_scoped3A_599, %dma_wait3A_635] : memref<8x1024xf32, #tpu.memory_space<vmem>> -> memref<1x1024xf32, #tpu.memory_space<vmem>>
        %dma_wait3A_637 = tpu.memref_squeeze %dma_wait3A_636 : memref<1x1024xf32, #tpu.memory_space<vmem>> -> memref<1024xf32, #tpu.memory_space<vmem>>
        %dma_wait3A_638 = tpu.memref_slice %arg3[%add3A_598] : memref<52428800xf32, #tpu.memory_space<hbm>> -> memref<1024xf32, #tpu.memory_space<hbm>>
        tpu.wait_dma2 semaphore(%run_scoped3A_624 : memref<!tpu.dma_semaphore, #tpu.memory_space<semaphore_mem>>) src(%dma_wait3A_638 : memref<1024xf32, #tpu.memory_space<hbm>>) dst(%dma_wait3A_637 : memref<1024xf32, #tpu.memory_space<vmem>>)
        tpu.yield
      }) : () -> ()
      %add3A_600 = arith.constant 196608 : i32
      %add3A_601 = arith.addi %add3A_582, %add3A_600 : i32
      %run_scoped3A_602 = arith.constant 6 : i32
      "tpu.region"() ({
        %run_scoped3A_624 = tpu.sem_alloc : memref<!tpu.dma_semaphore, #tpu.memory_space<semaphore_mem>>
        %dma_start3A = arith.constant 0 : i32
        %dma_start3A_625 = tpu.memref_slice %arg7[%run_scoped3A_602, %dma_start3A] : memref<8x1024xf32, #tpu.memory_space<vmem>> -> memref<1x1024xf32, #tpu.memory_space<vmem>>
        %dma_start3A_626 = tpu.memref_squeeze %dma_start3A_625 : memref<1x1024xf32, #tpu.memory_space<vmem>> -> memref<1024xf32, #tpu.memory_space<vmem>>
        %dma_start3A_627 = tpu.memref_slice %arg3[%add3A_601] : memref<52428800xf32, #tpu.memory_space<hbm>> -> memref<1024xf32, #tpu.memory_space<hbm>>
        %dma_start3A_628 = arith.constant 0 : i32
        %dma_start3A_629 = tpu.memref_slice %arg7[%run_scoped3A_602, %dma_start3A_628] : memref<8x1024xf32, #tpu.memory_space<vmem>> -> memref<1x1024xf32, #tpu.memory_space<vmem>>
        %dma_start3A_630 = tpu.memref_squeeze %dma_start3A_629 : memref<1x1024xf32, #tpu.memory_space<vmem>> -> memref<1024xf32, #tpu.memory_space<vmem>>
        %dma_start3A_631 = tpu.memref_slice %arg3[%add3A_601] : memref<52428800xf32, #tpu.memory_space<hbm>> -> memref<1024xf32, #tpu.memory_space<hbm>>
        tpu.enqueue_dma source(%dma_start3A_631 : memref<1024xf32, #tpu.memory_space<hbm>>) target(%dma_start3A_630 : memref<1024xf32, #tpu.memory_space<vmem>>) target_semaphore(%run_scoped3A_624 : memref<!tpu.dma_semaphore, #tpu.memory_space<semaphore_mem>>)
        %dma_wait3A = arith.constant 0 : i32
        %dma_wait3A_632 = tpu.memref_slice %arg7[%run_scoped3A_602, %dma_wait3A] : memref<8x1024xf32, #tpu.memory_space<vmem>> -> memref<1x1024xf32, #tpu.memory_space<vmem>>
        %dma_wait3A_633 = tpu.memref_squeeze %dma_wait3A_632 : memref<1x1024xf32, #tpu.memory_space<vmem>> -> memref<1024xf32, #tpu.memory_space<vmem>>
        %dma_wait3A_634 = tpu.memref_slice %arg3[%add3A_601] : memref<52428800xf32, #tpu.memory_space<hbm>> -> memref<1024xf32, #tpu.memory_space<hbm>>
        %dma_wait3A_635 = arith.constant 0 : i32
        %dma_wait3A_636 = tpu.memref_slice %arg7[%run_scoped3A_602, %dma_wait3A_635] : memref<8x1024xf32, #tpu.memory_space<vmem>> -> memref<1x1024xf32, #tpu.memory_space<vmem>>
        %dma_wait3A_637 = tpu.memref_squeeze %dma_wait3A_636 : memref<1x1024xf32, #tpu.memory_space<vmem>> -> memref<1024xf32, #tpu.memory_space<vmem>>
        %dma_wait3A_638 = tpu.memref_slice %arg3[%add3A_601] : memref<52428800xf32, #tpu.memory_space<hbm>> -> memref<1024xf32, #tpu.memory_space<hbm>>
        tpu.wait_dma2 semaphore(%run_scoped3A_624 : memref<!tpu.dma_semaphore, #tpu.memory_space<semaphore_mem>>) src(%dma_wait3A_638 : memref<1024xf32, #tpu.memory_space<hbm>>) dst(%dma_wait3A_637 : memref<1024xf32, #tpu.memory_space<vmem>>)
        tpu.yield
      }) : () -> ()
      %add3A_603 = arith.constant 229376 : i32
      %add3A_604 = arith.addi %add3A_582, %add3A_603 : i32
      %run_scoped3A_605 = arith.constant 7 : i32
      "tpu.region"() ({
        %run_scoped3A_624 = tpu.sem_alloc : memref<!tpu.dma_semaphore, #tpu.memory_space<semaphore_mem>>
        %dma_start3A = arith.constant 0 : i32
        %dma_start3A_625 = tpu.memref_slice %arg7[%run_scoped3A_605, %dma_start3A] : memref<8x1024xf32, #tpu.memory_space<vmem>> -> memref<1x1024xf32, #tpu.memory_space<vmem>>
        %dma_start3A_626 = tpu.memref_squeeze %dma_start3A_625 : memref<1x1024xf32, #tpu.memory_space<vmem>> -> memref<1024xf32, #tpu.memory_space<vmem>>
        %dma_start3A_627 = tpu.memref_slice %arg3[%add3A_604] : memref<52428800xf32, #tpu.memory_space<hbm>> -> memref<1024xf32, #tpu.memory_space<hbm>>
        %dma_start3A_628 = arith.constant 0 : i32
        %dma_start3A_629 = tpu.memref_slice %arg7[%run_scoped3A_605, %dma_start3A_628] : memref<8x1024xf32, #tpu.memory_space<vmem>> -> memref<1x1024xf32, #tpu.memory_space<vmem>>
        %dma_start3A_630 = tpu.memref_squeeze %dma_start3A_629 : memref<1x1024xf32, #tpu.memory_space<vmem>> -> memref<1024xf32, #tpu.memory_space<vmem>>
        %dma_start3A_631 = tpu.memref_slice %arg3[%add3A_604] : memref<52428800xf32, #tpu.memory_space<hbm>> -> memref<1024xf32, #tpu.memory_space<hbm>>
        tpu.enqueue_dma source(%dma_start3A_631 : memref<1024xf32, #tpu.memory_space<hbm>>) target(%dma_start3A_630 : memref<1024xf32, #tpu.memory_space<vmem>>) target_semaphore(%run_scoped3A_624 : memref<!tpu.dma_semaphore, #tpu.memory_space<semaphore_mem>>)
        %dma_wait3A = arith.constant 0 : i32
        %dma_wait3A_632 = tpu.memref_slice %arg7[%run_scoped3A_605, %dma_wait3A] : memref<8x1024xf32, #tpu.memory_space<vmem>> -> memref<1x1024xf32, #tpu.memory_space<vmem>>
        %dma_wait3A_633 = tpu.memref_squeeze %dma_wait3A_632 : memref<1x1024xf32, #tpu.memory_space<vmem>> -> memref<1024xf32, #tpu.memory_space<vmem>>
        %dma_wait3A_634 = tpu.memref_slice %arg3[%add3A_604] : memref<52428800xf32, #tpu.memory_space<hbm>> -> memref<1024xf32, #tpu.memory_space<hbm>>
        %dma_wait3A_635 = arith.constant 0 : i32
        %dma_wait3A_636 = tpu.memref_slice %arg7[%run_scoped3A_605, %dma_wait3A_635] : memref<8x1024xf32, #tpu.memory_space<vmem>> -> memref<1x1024xf32, #tpu.memory_space<vmem>>
        %dma_wait3A_637 = tpu.memref_squeeze %dma_wait3A_636 : memref<1x1024xf32, #tpu.memory_space<vmem>> -> memref<1024xf32, #tpu.memory_space<vmem>>
        %dma_wait3A_638 = tpu.memref_slice %arg3[%add3A_604] : memref<52428800xf32, #tpu.memory_space<hbm>> -> memref<1024xf32, #tpu.memory_space<hbm>>
        tpu.wait_dma2 semaphore(%run_scoped3A_624 : memref<!tpu.dma_semaphore, #tpu.memory_space<semaphore_mem>>) src(%dma_wait3A_638 : memref<1024xf32, #tpu.memory_space<hbm>>) dst(%dma_wait3A_637 : memref<1024xf32, #tpu.memory_space<vmem>>)
        tpu.yield
      }) : () -> ()
      %lt3A = arith.constant 8 : i32
      %lt3A_606 = vector.broadcast %lt3A : i32 to vector<16xi32>
      %lt3A_607 = arith.cmpi slt, %iota3A, %lt3A_606 : vector<16xi32>
      %mul3A_608 = arith.constant 2 : i32
      %mul3A_609 = vector.broadcast %mul3A_608 : i32 to vector<16xi32>
      %mul3A_610 = arith.muli %iota3A, %mul3A_609 : vector<16xi32>
      %mul3A_611 = arith.constant 2 : i32
      %mul3A_612 = vector.broadcast %mul3A_611 : i32 to vector<16xi32>
      %mul3A_613 = arith.muli %iota3A, %mul3A_612 : vector<16xi32>
      %sub3A_614 = arith.constant 16 : i32
      %sub3A_615 = vector.broadcast %sub3A_614 : i32 to vector<16xi32>
      %sub3A_616 = arith.subi %mul3A_613, %sub3A_615 : vector<16xi32>
      %select_n3A_617 = arith.select %lt3A_607, %mul3A_610, %sub3A_616 : vector<16xi1>, vector<16xi32>
      %scan3A = arith.constant 0 : i32
      %scan3A_618 = arith.constant 0 : i32
      %scan3A_619 = arith.constant 8 : i32
      %scan3A_620 = arith.addi %scan3A_618, %scan3A_619 : i32
      %scan3A_621 = arith.constant 1 : i32
      %scan3A_622 = scf.for %scan3A_624 = %scan3A_618 to %scan3A_620 step %scan3A_621 iter_args(%scan3A_625 = %scan3A) -> (i32)  : i32 {
        %get3A_626 = arith.index_cast %scan3A_624 : i32 to index
        %get3A_627 = arith.constant 0 : index
        %get3A_628 = tpu.vector_load %arg7[%get3A_626, %get3A_627] {strides = array<i32>} : memref<8x1024xf32, #tpu.memory_space<vmem>>, vector<16xf32>,
        %get3A_629 = arith.index_cast %scan3A_624 : i32 to index
        %get3A_630 = arith.constant 16 : index
        %get3A_631 = tpu.vector_load %arg7[%get3A_629, %get3A_630] {strides = array<i32>} : memref<8x1024xf32, #tpu.memory_space<vmem>>, vector<16xf32>,
        %get3A_632 = arith.index_cast %scan3A_624 : i32 to index
        %get3A_633 = arith.constant 32 : index
        %get3A_634 = tpu.vector_load %arg7[%get3A_632, %get3A_633] {strides = array<i32>} : memref<8x1024xf32, #tpu.memory_space<vmem>>, vector<16xf32>,
        %get3A_635 = arith.index_cast %scan3A_624 : i32 to index
        %get3A_636 = arith.constant 48 : index
        %get3A_637 = tpu.vector_load %arg7[%get3A_635, %get3A_636] {strides = array<i32>} : memref<8x1024xf32, #tpu.memory_space<vmem>>, vector<16xf32>,
        %get3A_638 = arith.index_cast %scan3A_624 : i32 to index
        %get3A_639 = arith.constant 64 : index
        %get3A_640 = tpu.vector_load %arg7[%get3A_638, %get3A_639] {strides = array<i32>} : memref<8x1024xf32, #tpu.memory_space<vmem>>, vector<16xf32>,
        %get3A_641 = arith.index_cast %scan3A_624 : i32 to index
        %get3A_642 = arith.constant 80 : index
        %get3A_643 = tpu.vector_load %arg7[%get3A_641, %get3A_642] {strides = array<i32>} : memref<8x1024xf32, #tpu.memory_space<vmem>>, vector<16xf32>,
        %get3A_644 = arith.index_cast %scan3A_624 : i32 to index
        %get3A_645 = arith.constant 96 : index
        %get3A_646 = tpu.vector_load %arg7[%get3A_644, %get3A_645] {strides = array<i32>} : memref<8x1024xf32, #tpu.memory_space<vmem>>, vector<16xf32>,
        %get3A_647 = arith.index_cast %scan3A_624 : i32 to index
        %get3A_648 = arith.constant 112 : index
        %get3A_649 = tpu.vector_load %arg7[%get3A_647, %get3A_648] {strides = array<i32>} : memref<8x1024xf32, #tpu.memory_space<vmem>>, vector<16xf32>,
        %broadcast_in_dim3A_650 = vector.shape_cast %select_n3A_617 : vector<16xi32> to vector<16x1xi32>
        %gather3A = vector.shape_cast %broadcast_in_dim3A_650 : vector<16x1xi32> to vector<16xi32>
        %gather3A_651 = tpu.dynamic_gather %get3A_628[%gather3A] in [0] : vector<16xf32>, vector<16xi32> -> vector<16xf32>
        %broadcast_in_dim3A_652 = vector.shape_cast %select_n3A_617 : vector<16xi32> to vector<16x1xi32>
        %gather3A_653 = vector.shape_cast %broadcast_in_dim3A_652 : vector<16x1xi32> to vector<16xi32>
        %gather3A_654 = tpu.dynamic_gather %get3A_631[%gather3A_653] in [0] : vector<16xf32>, vector<16xi32> -> vector<16xf32>
        %lt3A_655 = arith.constant 8 : i32
        %lt3A_656 = vector.broadcast %lt3A_655 : i32 to vector<16xi32>
        %lt3A_657 = arith.cmpi slt, %iota3A, %lt3A_656 : vector<16xi32>
        %select_n3A_658 = arith.select %lt3A_657, %gather3A_651, %gather3A_654 : vector<16xi1>, vector<16xf32>
        %swap3A = arith.constant 0 : i32
        %swap3A_659 = arith.index_cast %scan3A_624 : i32 to index
        %swap3A_660 = arith.index_cast %swap3A : i32 to index
        %swap3A_661 = arith.constant 0 : index
        %swap3A_662 = tpu.vector_load %arg8[%swap3A_659, %swap3A_660, %swap3A_661] {strides = array<i32>} : memref<8x8x64xf32, #tpu.memory_space<vmem>>, vector<16xf32>,
        tpu.vector_store %arg8[%swap3A_659, %swap3A_660, %swap3A_661], %select_n3A_658 {strides = array<i32>} : memref<8x8x64xf32, #tpu.memory_space<vmem>>, vector<16xf32>,
        %broadcast_in_dim3A_663 = vector.shape_cast %select_n3A_617 : vector<16xi32> to vector<16x1xi32>
        %gather3A_664 = vector.shape_cast %broadcast_in_dim3A_663 : vector<16x1xi32> to vector<16xi32>
        %gather3A_665 = tpu.dynamic_gather %get3A_634[%gather3A_664] in [0] : vector<16xf32>, vector<16xi32> -> vector<16xf32>
        %broadcast_in_dim3A_666 = vector.shape_cast %select_n3A_617 : vector<16xi32> to vector<16x1xi32>
        %gather3A_667 = vector.shape_cast %broadcast_in_dim3A_666 : vector<16x1xi32> to vector<16xi32>
        %gather3A_668 = tpu.dynamic_gather %get3A_637[%gather3A_667] in [0] : vector<16xf32>, vector<16xi32> -> vector<16xf32>
        %lt3A_669 = arith.constant 8 : i32
        %lt3A_670 = vector.broadcast %lt3A_669 : i32 to vector<16xi32>
        %lt3A_671 = arith.cmpi slt, %iota3A, %lt3A_670 : vector<16xi32>
        %select_n3A_672 = arith.select %lt3A_671, %gather3A_665, %gather3A_668 : vector<16xi1>, vector<16xf32>
        %swap3A_673 = arith.constant 0 : i32
        %swap3A_674 = arith.index_cast %scan3A_624 : i32 to index
        %swap3A_675 = arith.index_cast %swap3A_673 : i32 to index
        %swap3A_676 = arith.constant 16 : index
        %swap3A_677 = tpu.vector_load %arg8[%swap3A_674, %swap3A_675, %swap3A_676] {strides = array<i32>} : memref<8x8x64xf32, #tpu.memory_space<vmem>>, vector<16xf32>,
        tpu.vector_store %arg8[%swap3A_674, %swap3A_675, %swap3A_676], %select_n3A_672 {strides = array<i32>} : memref<8x8x64xf32, #tpu.memory_space<vmem>>, vector<16xf32>,
        %broadcast_in_dim3A_678 = vector.shape_cast %select_n3A_617 : vector<16xi32> to vector<16x1xi32>
        %gather3A_679 = vector.shape_cast %broadcast_in_dim3A_678 : vector<16x1xi32> to vector<16xi32>
        %gather3A_680 = tpu.dynamic_gather %get3A_640[%gather3A_679] in [0] : vector<16xf32>, vector<16xi32> -> vector<16xf32>
        %broadcast_in_dim3A_681 = vector.shape_cast %select_n3A_617 : vector<16xi32> to vector<16x1xi32>
        %gather3A_682 = vector.shape_cast %broadcast_in_dim3A_681 : vector<16x1xi32> to vector<16xi32>
        %gather3A_683 = tpu.dynamic_gather %get3A_643[%gather3A_682] in [0] : vector<16xf32>, vector<16xi32> -> vector<16xf32>
        %lt3A_684 = arith.constant 8 : i32
        %lt3A_685 = vector.broadcast %lt3A_684 : i32 to vector<16xi32>
        %lt3A_686 = arith.cmpi slt, %iota3A, %lt3A_685 : vector<16xi32>
        %select_n3A_687 = arith.select %lt3A_686, %gather3A_680, %gather3A_683 : vector<16xi1>, vector<16xf32>
        %swap3A_688 = arith.constant 0 : i32
        %swap3A_689 = arith.index_cast %scan3A_624 : i32 to index
        %swap3A_690 = arith.index_cast %swap3A_688 : i32 to index
        %swap3A_691 = arith.constant 32 : index
        %swap3A_692 = tpu.vector_load %arg8[%swap3A_689, %swap3A_690, %swap3A_691] {strides = array<i32>} : memref<8x8x64xf32, #tpu.memory_space<vmem>>, vector<16xf32>,
        tpu.vector_store %arg8[%swap3A_689, %swap3A_690, %swap3A_691], %select_n3A_687 {strides = array<i32>} : memref<8x8x64xf32, #tpu.memory_space<vmem>>, vector<16xf32>,
        %broadcast_in_dim3A_693 = vector.shape_cast %select_n3A_617 : vector<16xi32> to vector<16x1xi32>
        %gather3A_694 = vector.shape_cast %broadcast_in_dim3A_693 : vector<16x1xi32> to vector<16xi32>
        %gather3A_695 = tpu.dynamic_gather %get3A_646[%gather3A_694] in [0] : vector<16xf32>, vector<16xi32> -> vector<16xf32>
        %broadcast_in_dim3A_696 = vector.shape_cast %select_n3A_617 : vector<16xi32> to vector<16x1xi32>
        %gather3A_697 = vector.shape_cast %broadcast_in_dim3A_696 : vector<16x1xi32> to vector<16xi32>
        %gather3A_698 = tpu.dynamic_gather %get3A_649[%gather3A_697] in [0] : vector<16xf32>, vector<16xi32> -> vector<16xf32>
        %lt3A_699 = arith.constant 8 : i32
        %lt3A_700 = vector.broadcast %lt3A_699 : i32 to vector<16xi32>
        %lt3A_701 = arith.cmpi slt, %iota3A, %lt3A_700 : vector<16xi32>
        %select_n3A_702 = arith.select %lt3A_701, %gather3A_695, %gather3A_698 : vector<16xi1>, vector<16xf32>
        %swap3A_703 = arith.constant 0 : i32
        %swap3A_704 = arith.index_cast %scan3A_624 : i32 to index
        %swap3A_705 = arith.index_cast %swap3A_703 : i32 to index
        %swap3A_706 = arith.constant 48 : index
        %swap3A_707 = tpu.vector_load %arg8[%swap3A_704, %swap3A_705, %swap3A_706] {strides = array<i32>} : memref<8x8x64xf32, #tpu.memory_space<vmem>>, vector<16xf32>,
        tpu.vector_store %arg8[%swap3A_704, %swap3A_705, %swap3A_706], %select_n3A_702 {strides = array<i32>} : memref<8x8x64xf32, #tpu.memory_space<vmem>>, vector<16xf32>,
        %get3A_708 = arith.index_cast %scan3A_624 : i32 to index
        %get3A_709 = arith.constant 128 : index
        %get3A_710 = tpu.vector_load %arg7[%get3A_708, %get3A_709] {strides = array<i32>} : memref<8x1024xf32, #tpu.memory_space<vmem>>, vector<16xf32>,
        %get3A_711 = arith.index_cast %scan3A_624 : i32 to index
        %get3A_712 = arith.constant 144 : index
        %get3A_713 = tpu.vector_load %arg7[%get3A_711, %get3A_712] {strides = array<i32>} : memref<8x1024xf32, #tpu.memory_space<vmem>>, vector<16xf32>,
        %get3A_714 = arith.index_cast %scan3A_624 : i32 to index
        %get3A_715 = arith.constant 160 : index
        %get3A_716 = tpu.vector_load %arg7[%get3A_714, %get3A_715] {strides = array<i32>} : memref<8x1024xf32, #tpu.memory_space<vmem>>, vector<16xf32>,
        %get3A_717 = arith.index_cast %scan3A_624 : i32 to index
        %get3A_718 = arith.constant 176 : index
        %get3A_719 = tpu.vector_load %arg7[%get3A_717, %get3A_718] {strides = array<i32>} : memref<8x1024xf32, #tpu.memory_space<vmem>>, vector<16xf32>,
        %get3A_720 = arith.index_cast %scan3A_624 : i32 to index
        %get3A_721 = arith.constant 192 : index
        %get3A_722 = tpu.vector_load %arg7[%get3A_720, %get3A_721] {strides = array<i32>} : memref<8x1024xf32, #tpu.memory_space<vmem>>, vector<16xf32>,
        %get3A_723 = arith.index_cast %scan3A_624 : i32 to index
        %get3A_724 = arith.constant 208 : index
        %get3A_725 = tpu.vector_load %arg7[%get3A_723, %get3A_724] {strides = array<i32>} : memref<8x1024xf32, #tpu.memory_space<vmem>>, vector<16xf32>,
        %get3A_726 = arith.index_cast %scan3A_624 : i32 to index
        %get3A_727 = arith.constant 224 : index
        %get3A_728 = tpu.vector_load %arg7[%get3A_726, %get3A_727] {strides = array<i32>} : memref<8x1024xf32, #tpu.memory_space<vmem>>, vector<16xf32>,
        %get3A_729 = arith.index_cast %scan3A_624 : i32 to index
        %get3A_730 = arith.constant 240 : index
        %get3A_731 = tpu.vector_load %arg7[%get3A_729, %get3A_730] {strides = array<i32>} : memref<8x1024xf32, #tpu.memory_space<vmem>>, vector<16xf32>,
        %broadcast_in_dim3A_732 = vector.shape_cast %select_n3A_617 : vector<16xi32> to vector<16x1xi32>
        %gather3A_733 = vector.shape_cast %broadcast_in_dim3A_732 : vector<16x1xi32> to vector<16xi32>
        %gather3A_734 = tpu.dynamic_gather %get3A_710[%gather3A_733] in [0] : vector<16xf32>, vector<16xi32> -> vector<16xf32>
        %broadcast_in_dim3A_735 = vector.shape_cast %select_n3A_617 : vector<16xi32> to vector<16x1xi32>
        %gather3A_736 = vector.shape_cast %broadcast_in_dim3A_735 : vector<16x1xi32> to vector<16xi32>
        %gather3A_737 = tpu.dynamic_gather %get3A_713[%gather3A_736] in [0] : vector<16xf32>, vector<16xi32> -> vector<16xf32>
        %lt3A_738 = arith.constant 8 : i32
        %lt3A_739 = vector.broadcast %lt3A_738 : i32 to vector<16xi32>
        %lt3A_740 = arith.cmpi slt, %iota3A, %lt3A_739 : vector<16xi32>
        %select_n3A_741 = arith.select %lt3A_740, %gather3A_734, %gather3A_737 : vector<16xi1>, vector<16xf32>
        %swap3A_742 = arith.constant 1 : i32
        %swap3A_743 = arith.index_cast %scan3A_624 : i32 to index
        %swap3A_744 = arith.index_cast %swap3A_742 : i32 to index
        %swap3A_745 = arith.constant 0 : index
        %swap3A_746 = tpu.vector_load %arg8[%swap3A_743, %swap3A_744, %swap3A_745] {strides = array<i32>} : memref<8x8x64xf32, #tpu.memory_space<vmem>>, vector<16xf32>,
        tpu.vector_store %arg8[%swap3A_743, %swap3A_744, %swap3A_745], %select_n3A_741 {strides = array<i32>} : memref<8x8x64xf32, #tpu.memory_space<vmem>>, vector<16xf32>,
        %broadcast_in_dim3A_747 = vector.shape_cast %select_n3A_617 : vector<16xi32> to vector<16x1xi32>
        %gather3A_748 = vector.shape_cast %broadcast_in_dim3A_747 : vector<16x1xi32> to vector<16xi32>
        %gather3A_749 = tpu.dynamic_gather %get3A_716[%gather3A_748] in [0] : vector<16xf32>, vector<16xi32> -> vector<16xf32>
        %broadcast_in_dim3A_750 = vector.shape_cast %select_n3A_617 : vector<16xi32> to vector<16x1xi32>
        %gather3A_751 = vector.shape_cast %broadcast_in_dim3A_750 : vector<16x1xi32> to vector<16xi32>
        %gather3A_752 = tpu.dynamic_gather %get3A_719[%gather3A_751] in [0] : vector<16xf32>, vector<16xi32> -> vector<16xf32>
        %lt3A_753 = arith.constant 8 : i32
        %lt3A_754 = vector.broadcast %lt3A_753 : i32 to vector<16xi32>
        %lt3A_755 = arith.cmpi slt, %iota3A, %lt3A_754 : vector<16xi32>
        %select_n3A_756 = arith.select %lt3A_755, %gather3A_749, %gather3A_752 : vector<16xi1>, vector<16xf32>
        %swap3A_757 = arith.constant 1 : i32
        %swap3A_758 = arith.index_cast %scan3A_624 : i32 to index
        %swap3A_759 = arith.index_cast %swap3A_757 : i32 to index
        %swap3A_760 = arith.constant 16 : index
        %swap3A_761 = tpu.vector_load %arg8[%swap3A_758, %swap3A_759, %swap3A_760] {strides = array<i32>} : memref<8x8x64xf32, #tpu.memory_space<vmem>>, vector<16xf32>,
        tpu.vector_store %arg8[%swap3A_758, %swap3A_759, %swap3A_760], %select_n3A_756 {strides = array<i32>} : memref<8x8x64xf32, #tpu.memory_space<vmem>>, vector<16xf32>,
        %broadcast_in_dim3A_762 = vector.shape_cast %select_n3A_617 : vector<16xi32> to vector<16x1xi32>
        %gather3A_763 = vector.shape_cast %broadcast_in_dim3A_762 : vector<16x1xi32> to vector<16xi32>
        %gather3A_764 = tpu.dynamic_gather %get3A_722[%gather3A_763] in [0] : vector<16xf32>, vector<16xi32> -> vector<16xf32>
        %broadcast_in_dim3A_765 = vector.shape_cast %select_n3A_617 : vector<16xi32> to vector<16x1xi32>
        %gather3A_766 = vector.shape_cast %broadcast_in_dim3A_765 : vector<16x1xi32> to vector<16xi32>
        %gather3A_767 = tpu.dynamic_gather %get3A_725[%gather3A_766] in [0] : vector<16xf32>, vector<16xi32> -> vector<16xf32>
        %lt3A_768 = arith.constant 8 : i32
        %lt3A_769 = vector.broadcast %lt3A_768 : i32 to vector<16xi32>
        %lt3A_770 = arith.cmpi slt, %iota3A, %lt3A_769 : vector<16xi32>
        %select_n3A_771 = arith.select %lt3A_770, %gather3A_764, %gather3A_767 : vector<16xi1>, vector<16xf32>
        %swap3A_772 = arith.constant 1 : i32
        %swap3A_773 = arith.index_cast %scan3A_624 : i32 to index
        %swap3A_774 = arith.index_cast %swap3A_772 : i32 to index
        %swap3A_775 = arith.constant 32 : index
        %swap3A_776 = tpu.vector_load %arg8[%swap3A_773, %swap3A_774, %swap3A_775] {strides = array<i32>} : memref<8x8x64xf32, #tpu.memory_space<vmem>>, vector<16xf32>,
        tpu.vector_store %arg8[%swap3A_773, %swap3A_774, %swap3A_775], %select_n3A_771 {strides = array<i32>} : memref<8x8x64xf32, #tpu.memory_space<vmem>>, vector<16xf32>,
        %broadcast_in_dim3A_777 = vector.shape_cast %select_n3A_617 : vector<16xi32> to vector<16x1xi32>
        %gather3A_778 = vector.shape_cast %broadcast_in_dim3A_777 : vector<16x1xi32> to vector<16xi32>
        %gather3A_779 = tpu.dynamic_gather %get3A_728[%gather3A_778] in [0] : vector<16xf32>, vector<16xi32> -> vector<16xf32>
        %broadcast_in_dim3A_780 = vector.shape_cast %select_n3A_617 : vector<16xi32> to vector<16x1xi32>
        %gather3A_781 = vector.shape_cast %broadcast_in_dim3A_780 : vector<16x1xi32> to vector<16xi32>
        %gather3A_782 = tpu.dynamic_gather %get3A_731[%gather3A_781] in [0] : vector<16xf32>, vector<16xi32> -> vector<16xf32>
        %lt3A_783 = arith.constant 8 : i32
        %lt3A_784 = vector.broadcast %lt3A_783 : i32 to vector<16xi32>
        %lt3A_785 = arith.cmpi slt, %iota3A, %lt3A_784 : vector<16xi32>
        %select_n3A_786 = arith.select %lt3A_785, %gather3A_779, %gather3A_782 : vector<16xi1>, vector<16xf32>
        %swap3A_787 = arith.constant 1 : i32
        %swap3A_788 = arith.index_cast %scan3A_624 : i32 to index
        %swap3A_789 = arith.index_cast %swap3A_787 : i32 to index
        %swap3A_790 = arith.constant 48 : index
        %swap3A_791 = tpu.vector_load %arg8[%swap3A_788, %swap3A_789, %swap3A_790] {strides = array<i32>} : memref<8x8x64xf32, #tpu.memory_space<vmem>>, vector<16xf32>,
        tpu.vector_store %arg8[%swap3A_788, %swap3A_789, %swap3A_790], %select_n3A_786 {strides = array<i32>} : memref<8x8x64xf32, #tpu.memory_space<vmem>>, vector<16xf32>,
        %get3A_792 = arith.index_cast %scan3A_624 : i32 to index
        %get3A_793 = arith.constant 256 : index
        %get3A_794 = tpu.vector_load %arg7[%get3A_792, %get3A_793] {strides = array<i32>} : memref<8x1024xf32, #tpu.memory_space<vmem>>, vector<16xf32>,
        %get3A_795 = arith.index_cast %scan3A_624 : i32 to index
        %get3A_796 = arith.constant 272 : index
        %get3A_797 = tpu.vector_load %arg7[%get3A_795, %get3A_796] {strides = array<i32>} : memref<8x1024xf32, #tpu.memory_space<vmem>>, vector<16xf32>,
        %get3A_798 = arith.index_cast %scan3A_624 : i32 to index
        %get3A_799 = arith.constant 288 : index
        %get3A_800 = tpu.vector_load %arg7[%get3A_798, %get3A_799] {strides = array<i32>} : memref<8x1024xf32, #tpu.memory_space<vmem>>, vector<16xf32>,
        %get3A_801 = arith.index_cast %scan3A_624 : i32 to index
        %get3A_802 = arith.constant 304 : index
        %get3A_803 = tpu.vector_load %arg7[%get3A_801, %get3A_802] {strides = array<i32>} : memref<8x1024xf32, #tpu.memory_space<vmem>>, vector<16xf32>,
        %get3A_804 = arith.index_cast %scan3A_624 : i32 to index
        %get3A_805 = arith.constant 320 : index
        %get3A_806 = tpu.vector_load %arg7[%get3A_804, %get3A_805] {strides = array<i32>} : memref<8x1024xf32, #tpu.memory_space<vmem>>, vector<16xf32>,
        %get3A_807 = arith.index_cast %scan3A_624 : i32 to index
        %get3A_808 = arith.constant 336 : index
        %get3A_809 = tpu.vector_load %arg7[%get3A_807, %get3A_808] {strides = array<i32>} : memref<8x1024xf32, #tpu.memory_space<vmem>>, vector<16xf32>,
        %get3A_810 = arith.index_cast %scan3A_624 : i32 to index
        %get3A_811 = arith.constant 352 : index
        %get3A_812 = tpu.vector_load %arg7[%get3A_810, %get3A_811] {strides = array<i32>} : memref<8x1024xf32, #tpu.memory_space<vmem>>, vector<16xf32>,
        %get3A_813 = arith.index_cast %scan3A_624 : i32 to index
        %get3A_814 = arith.constant 368 : index
        %get3A_815 = tpu.vector_load %arg7[%get3A_813, %get3A_814] {strides = array<i32>} : memref<8x1024xf32, #tpu.memory_space<vmem>>, vector<16xf32>,
        %broadcast_in_dim3A_816 = vector.shape_cast %select_n3A_617 : vector<16xi32> to vector<16x1xi32>
        %gather3A_817 = vector.shape_cast %broadcast_in_dim3A_816 : vector<16x1xi32> to vector<16xi32>
        %gather3A_818 = tpu.dynamic_gather %get3A_794[%gather3A_817] in [0] : vector<16xf32>, vector<16xi32> -> vector<16xf32>
        %broadcast_in_dim3A_819 = vector.shape_cast %select_n3A_617 : vector<16xi32> to vector<16x1xi32>
        %gather3A_820 = vector.shape_cast %broadcast_in_dim3A_819 : vector<16x1xi32> to vector<16xi32>
        %gather3A_821 = tpu.dynamic_gather %get3A_797[%gather3A_820] in [0] : vector<16xf32>, vector<16xi32> -> vector<16xf32>
        %lt3A_822 = arith.constant 8 : i32
        %lt3A_823 = vector.broadcast %lt3A_822 : i32 to vector<16xi32>
        %lt3A_824 = arith.cmpi slt, %iota3A, %lt3A_823 : vector<16xi32>
        %select_n3A_825 = arith.select %lt3A_824, %gather3A_818, %gather3A_821 : vector<16xi1>, vector<16xf32>
        %swap3A_826 = arith.constant 2 : i32
        %swap3A_827 = arith.index_cast %scan3A_624 : i32 to index
        %swap3A_828 = arith.index_cast %swap3A_826 : i32 to index
        %swap3A_829 = arith.constant 0 : index
        %swap3A_830 = tpu.vector_load %arg8[%swap3A_827, %swap3A_828, %swap3A_829] {strides = array<i32>} : memref<8x8x64xf32, #tpu.memory_space<vmem>>, vector<16xf32>,
        tpu.vector_store %arg8[%swap3A_827, %swap3A_828, %swap3A_829], %select_n3A_825 {strides = array<i32>} : memref<8x8x64xf32, #tpu.memory_space<vmem>>, vector<16xf32>,
        %broadcast_in_dim3A_831 = vector.shape_cast %select_n3A_617 : vector<16xi32> to vector<16x1xi32>
        %gather3A_832 = vector.shape_cast %broadcast_in_dim3A_831 : vector<16x1xi32> to vector<16xi32>
        %gather3A_833 = tpu.dynamic_gather %get3A_800[%gather3A_832] in [0] : vector<16xf32>, vector<16xi32> -> vector<16xf32>
        %broadcast_in_dim3A_834 = vector.shape_cast %select_n3A_617 : vector<16xi32> to vector<16x1xi32>
        %gather3A_835 = vector.shape_cast %broadcast_in_dim3A_834 : vector<16x1xi32> to vector<16xi32>
        %gather3A_836 = tpu.dynamic_gather %get3A_803[%gather3A_835] in [0] : vector<16xf32>, vector<16xi32> -> vector<16xf32>
        %lt3A_837 = arith.constant 8 : i32
        %lt3A_838 = vector.broadcast %lt3A_837 : i32 to vector<16xi32>
        %lt3A_839 = arith.cmpi slt, %iota3A, %lt3A_838 : vector<16xi32>
        %select_n3A_840 = arith.select %lt3A_839, %gather3A_833, %gather3A_836 : vector<16xi1>, vector<16xf32>
        %swap3A_841 = arith.constant 2 : i32
        %swap3A_842 = arith.index_cast %scan3A_624 : i32 to index
        %swap3A_843 = arith.index_cast %swap3A_841 : i32 to index
        %swap3A_844 = arith.constant 16 : index
        %swap3A_845 = tpu.vector_load %arg8[%swap3A_842, %swap3A_843, %swap3A_844] {strides = array<i32>} : memref<8x8x64xf32, #tpu.memory_space<vmem>>, vector<16xf32>,
        tpu.vector_store %arg8[%swap3A_842, %swap3A_843, %swap3A_844], %select_n3A_840 {strides = array<i32>} : memref<8x8x64xf32, #tpu.memory_space<vmem>>, vector<16xf32>,
        %broadcast_in_dim3A_846 = vector.shape_cast %select_n3A_617 : vector<16xi32> to vector<16x1xi32>
        %gather3A_847 = vector.shape_cast %broadcast_in_dim3A_846 : vector<16x1xi32> to vector<16xi32>
        %gather3A_848 = tpu.dynamic_gather %get3A_806[%gather3A_847] in [0] : vector<16xf32>, vector<16xi32> -> vector<16xf32>
        %broadcast_in_dim3A_849 = vector.shape_cast %select_n3A_617 : vector<16xi32> to vector<16x1xi32>
        %gather3A_850 = vector.shape_cast %broadcast_in_dim3A_849 : vector<16x1xi32> to vector<16xi32>
        %gather3A_851 = tpu.dynamic_gather %get3A_809[%gather3A_850] in [0] : vector<16xf32>, vector<16xi32> -> vector<16xf32>
        %lt3A_852 = arith.constant 8 : i32
        %lt3A_853 = vector.broadcast %lt3A_852 : i32 to vector<16xi32>
        %lt3A_854 = arith.cmpi slt, %iota3A, %lt3A_853 : vector<16xi32>
        %select_n3A_855 = arith.select %lt3A_854, %gather3A_848, %gather3A_851 : vector<16xi1>, vector<16xf32>
        %swap3A_856 = arith.constant 2 : i32
        %swap3A_857 = arith.index_cast %scan3A_624 : i32 to index
        %swap3A_858 = arith.index_cast %swap3A_856 : i32 to index
        %swap3A_859 = arith.constant 32 : index
        %swap3A_860 = tpu.vector_load %arg8[%swap3A_857, %swap3A_858, %swap3A_859] {strides = array<i32>} : memref<8x8x64xf32, #tpu.memory_space<vmem>>, vector<16xf32>,
        tpu.vector_store %arg8[%swap3A_857, %swap3A_858, %swap3A_859], %select_n3A_855 {strides = array<i32>} : memref<8x8x64xf32, #tpu.memory_space<vmem>>, vector<16xf32>,
        %broadcast_in_dim3A_861 = vector.shape_cast %select_n3A_617 : vector<16xi32> to vector<16x1xi32>
        %gather3A_862 = vector.shape_cast %broadcast_in_dim3A_861 : vector<16x1xi32> to vector<16xi32>
        %gather3A_863 = tpu.dynamic_gather %get3A_812[%gather3A_862] in [0] : vector<16xf32>, vector<16xi32> -> vector<16xf32>
        %broadcast_in_dim3A_864 = vector.shape_cast %select_n3A_617 : vector<16xi32> to vector<16x1xi32>
        %gather3A_865 = vector.shape_cast %broadcast_in_dim3A_864 : vector<16x1xi32> to vector<16xi32>
        %gather3A_866 = tpu.dynamic_gather %get3A_815[%gather3A_865] in [0] : vector<16xf32>, vector<16xi32> -> vector<16xf32>
        %lt3A_867 = arith.constant 8 : i32
        %lt3A_868 = vector.broadcast %lt3A_867 : i32 to vector<16xi32>
        %lt3A_869 = arith.cmpi slt, %iota3A, %lt3A_868 : vector<16xi32>
        %select_n3A_870 = arith.select %lt3A_869, %gather3A_863, %gather3A_866 : vector<16xi1>, vector<16xf32>
        %swap3A_871 = arith.constant 2 : i32
        %swap3A_872 = arith.index_cast %scan3A_624 : i32 to index
        %swap3A_873 = arith.index_cast %swap3A_871 : i32 to index
        %swap3A_874 = arith.constant 48 : index
        %swap3A_875 = tpu.vector_load %arg8[%swap3A_872, %swap3A_873, %swap3A_874] {strides = array<i32>} : memref<8x8x64xf32, #tpu.memory_space<vmem>>, vector<16xf32>,
        tpu.vector_store %arg8[%swap3A_872, %swap3A_873, %swap3A_874], %select_n3A_870 {strides = array<i32>} : memref<8x8x64xf32, #tpu.memory_space<vmem>>, vector<16xf32>,
        %get3A_876 = arith.index_cast %scan3A_624 : i32 to index
        %get3A_877 = arith.constant 384 : index
        %get3A_878 = tpu.vector_load %arg7[%get3A_876, %get3A_877] {strides = array<i32>} : memref<8x1024xf32, #tpu.memory_space<vmem>>, vector<16xf32>,
        %get3A_879 = arith.index_cast %scan3A_624 : i32 to index
        %get3A_880 = arith.constant 400 : index
        %get3A_881 = tpu.vector_load %arg7[%get3A_879, %get3A_880] {strides = array<i32>} : memref<8x1024xf32, #tpu.memory_space<vmem>>, vector<16xf32>,
        %get3A_882 = arith.index_cast %scan3A_624 : i32 to index
        %get3A_883 = arith.constant 416 : index
        %get3A_884 = tpu.vector_load %arg7[%get3A_882, %get3A_883] {strides = array<i32>} : memref<8x1024xf32, #tpu.memory_space<vmem>>, vector<16xf32>,
        %get3A_885 = arith.index_cast %scan3A_624 : i32 to index
        %get3A_886 = arith.constant 432 : index
        %get3A_887 = tpu.vector_load %arg7[%get3A_885, %get3A_886] {strides = array<i32>} : memref<8x1024xf32, #tpu.memory_space<vmem>>, vector<16xf32>,
        %get3A_888 = arith.index_cast %scan3A_624 : i32 to index
        %get3A_889 = arith.constant 448 : index
        %get3A_890 = tpu.vector_load %arg7[%get3A_888, %get3A_889] {strides = array<i32>} : memref<8x1024xf32, #tpu.memory_space<vmem>>, vector<16xf32>,
        %get3A_891 = arith.index_cast %scan3A_624 : i32 to index
        %get3A_892 = arith.constant 464 : index
        %get3A_893 = tpu.vector_load %arg7[%get3A_891, %get3A_892] {strides = array<i32>} : memref<8x1024xf32, #tpu.memory_space<vmem>>, vector<16xf32>,
        %get3A_894 = arith.index_cast %scan3A_624 : i32 to index
        %get3A_895 = arith.constant 480 : index
        %get3A_896 = tpu.vector_load %arg7[%get3A_894, %get3A_895] {strides = array<i32>} : memref<8x1024xf32, #tpu.memory_space<vmem>>, vector<16xf32>,
        %get3A_897 = arith.index_cast %scan3A_624 : i32 to index
        %get3A_898 = arith.constant 496 : index
        %get3A_899 = tpu.vector_load %arg7[%get3A_897, %get3A_898] {strides = array<i32>} : memref<8x1024xf32, #tpu.memory_space<vmem>>, vector<16xf32>,
        %broadcast_in_dim3A_900 = vector.shape_cast %select_n3A_617 : vector<16xi32> to vector<16x1xi32>
        %gather3A_901 = vector.shape_cast %broadcast_in_dim3A_900 : vector<16x1xi32> to vector<16xi32>
        %gather3A_902 = tpu.dynamic_gather %get3A_878[%gather3A_901] in [0] : vector<16xf32>, vector<16xi32> -> vector<16xf32>
        %broadcast_in_dim3A_903 = vector.shape_cast %select_n3A_617 : vector<16xi32> to vector<16x1xi32>
        %gather3A_904 = vector.shape_cast %broadcast_in_dim3A_903 : vector<16x1xi32> to vector<16xi32>
        %gather3A_905 = tpu.dynamic_gather %get3A_881[%gather3A_904] in [0] : vector<16xf32>, vector<16xi32> -> vector<16xf32>
        %lt3A_906 = arith.constant 8 : i32
        %lt3A_907 = vector.broadcast %lt3A_906 : i32 to vector<16xi32>
        %lt3A_908 = arith.cmpi slt, %iota3A, %lt3A_907 : vector<16xi32>
        %select_n3A_909 = arith.select %lt3A_908, %gather3A_902, %gather3A_905 : vector<16xi1>, vector<16xf32>
        %swap3A_910 = arith.constant 3 : i32
        %swap3A_911 = arith.index_cast %scan3A_624 : i32 to index
        %swap3A_912 = arith.index_cast %swap3A_910 : i32 to index
        %swap3A_913 = arith.constant 0 : index
        %swap3A_914 = tpu.vector_load %arg8[%swap3A_911, %swap3A_912, %swap3A_913] {strides = array<i32>} : memref<8x8x64xf32, #tpu.memory_space<vmem>>, vector<16xf32>,
        tpu.vector_store %arg8[%swap3A_911, %swap3A_912, %swap3A_913], %select_n3A_909 {strides = array<i32>} : memref<8x8x64xf32, #tpu.memory_space<vmem>>, vector<16xf32>,
        %broadcast_in_dim3A_915 = vector.shape_cast %select_n3A_617 : vector<16xi32> to vector<16x1xi32>
        %gather3A_916 = vector.shape_cast %broadcast_in_dim3A_915 : vector<16x1xi32> to vector<16xi32>
        %gather3A_917 = tpu.dynamic_gather %get3A_884[%gather3A_916] in [0] : vector<16xf32>, vector<16xi32> -> vector<16xf32>
        %broadcast_in_dim3A_918 = vector.shape_cast %select_n3A_617 : vector<16xi32> to vector<16x1xi32>
        %gather3A_919 = vector.shape_cast %broadcast_in_dim3A_918 : vector<16x1xi32> to vector<16xi32>
        %gather3A_920 = tpu.dynamic_gather %get3A_887[%gather3A_919] in [0] : vector<16xf32>, vector<16xi32> -> vector<16xf32>
        %lt3A_921 = arith.constant 8 : i32
        %lt3A_922 = vector.broadcast %lt3A_921 : i32 to vector<16xi32>
        %lt3A_923 = arith.cmpi slt, %iota3A, %lt3A_922 : vector<16xi32>
        %select_n3A_924 = arith.select %lt3A_923, %gather3A_917, %gather3A_920 : vector<16xi1>, vector<16xf32>
        %swap3A_925 = arith.constant 3 : i32
        %swap3A_926 = arith.index_cast %scan3A_624 : i32 to index
        %swap3A_927 = arith.index_cast %swap3A_925 : i32 to index
        %swap3A_928 = arith.constant 16 : index
        %swap3A_929 = tpu.vector_load %arg8[%swap3A_926, %swap3A_927, %swap3A_928] {strides = array<i32>} : memref<8x8x64xf32, #tpu.memory_space<vmem>>, vector<16xf32>,
        tpu.vector_store %arg8[%swap3A_926, %swap3A_927, %swap3A_928], %select_n3A_924 {strides = array<i32>} : memref<8x8x64xf32, #tpu.memory_space<vmem>>, vector<16xf32>,
        %broadcast_in_dim3A_930 = vector.shape_cast %select_n3A_617 : vector<16xi32> to vector<16x1xi32>
        %gather3A_931 = vector.shape_cast %broadcast_in_dim3A_930 : vector<16x1xi32> to vector<16xi32>
        %gather3A_932 = tpu.dynamic_gather %get3A_890[%gather3A_931] in [0] : vector<16xf32>, vector<16xi32> -> vector<16xf32>
        %broadcast_in_dim3A_933 = vector.shape_cast %select_n3A_617 : vector<16xi32> to vector<16x1xi32>
        %gather3A_934 = vector.shape_cast %broadcast_in_dim3A_933 : vector<16x1xi32> to vector<16xi32>
        %gather3A_935 = tpu.dynamic_gather %get3A_893[%gather3A_934] in [0] : vector<16xf32>, vector<16xi32> -> vector<16xf32>
        %lt3A_936 = arith.constant 8 : i32
        %lt3A_937 = vector.broadcast %lt3A_936 : i32 to vector<16xi32>
        %lt3A_938 = arith.cmpi slt, %iota3A, %lt3A_937 : vector<16xi32>
        %select_n3A_939 = arith.select %lt3A_938, %gather3A_932, %gather3A_935 : vector<16xi1>, vector<16xf32>
        %swap3A_940 = arith.constant 3 : i32
        %swap3A_941 = arith.index_cast %scan3A_624 : i32 to index
        %swap3A_942 = arith.index_cast %swap3A_940 : i32 to index
        %swap3A_943 = arith.constant 32 : index
        %swap3A_944 = tpu.vector_load %arg8[%swap3A_941, %swap3A_942, %swap3A_943] {strides = array<i32>} : memref<8x8x64xf32, #tpu.memory_space<vmem>>, vector<16xf32>,
        tpu.vector_store %arg8[%swap3A_941, %swap3A_942, %swap3A_943], %select_n3A_939 {strides = array<i32>} : memref<8x8x64xf32, #tpu.memory_space<vmem>>, vector<16xf32>,
        %broadcast_in_dim3A_945 = vector.shape_cast %select_n3A_617 : vector<16xi32> to vector<16x1xi32>
        %gather3A_946 = vector.shape_cast %broadcast_in_dim3A_945 : vector<16x1xi32> to vector<16xi32>
        %gather3A_947 = tpu.dynamic_gather %get3A_896[%gather3A_946] in [0] : vector<16xf32>, vector<16xi32> -> vector<16xf32>
        %broadcast_in_dim3A_948 = vector.shape_cast %select_n3A_617 : vector<16xi32> to vector<16x1xi32>
        %gather3A_949 = vector.shape_cast %broadcast_in_dim3A_948 : vector<16x1xi32> to vector<16xi32>
        %gather3A_950 = tpu.dynamic_gather %get3A_899[%gather3A_949] in [0] : vector<16xf32>, vector<16xi32> -> vector<16xf32>
        %lt3A_951 = arith.constant 8 : i32
        %lt3A_952 = vector.broadcast %lt3A_951 : i32 to vector<16xi32>
        %lt3A_953 = arith.cmpi slt, %iota3A, %lt3A_952 : vector<16xi32>
        %select_n3A_954 = arith.select %lt3A_953, %gather3A_947, %gather3A_950 : vector<16xi1>, vector<16xf32>
        %swap3A_955 = arith.constant 3 : i32
        %swap3A_956 = arith.index_cast %scan3A_624 : i32 to index
        %swap3A_957 = arith.index_cast %swap3A_955 : i32 to index
        %swap3A_958 = arith.constant 48 : index
        %swap3A_959 = tpu.vector_load %arg8[%swap3A_956, %swap3A_957, %swap3A_958] {strides = array<i32>} : memref<8x8x64xf32, #tpu.memory_space<vmem>>, vector<16xf32>,
        tpu.vector_store %arg8[%swap3A_956, %swap3A_957, %swap3A_958], %select_n3A_954 {strides = array<i32>} : memref<8x8x64xf32, #tpu.memory_space<vmem>>, vector<16xf32>,
        %get3A_960 = arith.index_cast %scan3A_624 : i32 to index
        %get3A_961 = arith.constant 512 : index
        %get3A_962 = tpu.vector_load %arg7[%get3A_960, %get3A_961] {strides = array<i32>} : memref<8x1024xf32, #tpu.memory_space<vmem>>, vector<16xf32>,
        %get3A_963 = arith.index_cast %scan3A_624 : i32 to index
        %get3A_964 = arith.constant 528 : index
        %get3A_965 = tpu.vector_load %arg7[%get3A_963, %get3A_964] {strides = array<i32>} : memref<8x1024xf32, #tpu.memory_space<vmem>>, vector<16xf32>,
        %get3A_966 = arith.index_cast %scan3A_624 : i32 to index
        %get3A_967 = arith.constant 544 : index
        %get3A_968 = tpu.vector_load %arg7[%get3A_966, %get3A_967] {strides = array<i32>} : memref<8x1024xf32, #tpu.memory_space<vmem>>, vector<16xf32>,
        %get3A_969 = arith.index_cast %scan3A_624 : i32 to index
        %get3A_970 = arith.constant 560 : index
        %get3A_971 = tpu.vector_load %arg7[%get3A_969, %get3A_970] {strides = array<i32>} : memref<8x1024xf32, #tpu.memory_space<vmem>>, vector<16xf32>,
        %get3A_972 = arith.index_cast %scan3A_624 : i32 to index
        %get3A_973 = arith.constant 576 : index
        %get3A_974 = tpu.vector_load %arg7[%get3A_972, %get3A_973] {strides = array<i32>} : memref<8x1024xf32, #tpu.memory_space<vmem>>, vector<16xf32>,
        %get3A_975 = arith.index_cast %scan3A_624 : i32 to index
        %get3A_976 = arith.constant 592 : index
        %get3A_977 = tpu.vector_load %arg7[%get3A_975, %get3A_976] {strides = array<i32>} : memref<8x1024xf32, #tpu.memory_space<vmem>>, vector<16xf32>,
        %get3A_978 = arith.index_cast %scan3A_624 : i32 to index
        %get3A_979 = arith.constant 608 : index
        %get3A_980 = tpu.vector_load %arg7[%get3A_978, %get3A_979] {strides = array<i32>} : memref<8x1024xf32, #tpu.memory_space<vmem>>, vector<16xf32>,
        %get3A_981 = arith.index_cast %scan3A_624 : i32 to index
        %get3A_982 = arith.constant 624 : index
        %get3A_983 = tpu.vector_load %arg7[%get3A_981, %get3A_982] {strides = array<i32>} : memref<8x1024xf32, #tpu.memory_space<vmem>>, vector<16xf32>,
        %broadcast_in_dim3A_984 = vector.shape_cast %select_n3A_617 : vector<16xi32> to vector<16x1xi32>
        %gather3A_985 = vector.shape_cast %broadcast_in_dim3A_984 : vector<16x1xi32> to vector<16xi32>
        %gather3A_986 = tpu.dynamic_gather %get3A_962[%gather3A_985] in [0] : vector<16xf32>, vector<16xi32> -> vector<16xf32>
        %broadcast_in_dim3A_987 = vector.shape_cast %select_n3A_617 : vector<16xi32> to vector<16x1xi32>
        %gather3A_988 = vector.shape_cast %broadcast_in_dim3A_987 : vector<16x1xi32> to vector<16xi32>
        %gather3A_989 = tpu.dynamic_gather %get3A_965[%gather3A_988] in [0] : vector<16xf32>, vector<16xi32> -> vector<16xf32>
        %lt3A_990 = arith.constant 8 : i32
        %lt3A_991 = vector.broadcast %lt3A_990 : i32 to vector<16xi32>
        %lt3A_992 = arith.cmpi slt, %iota3A, %lt3A_991 : vector<16xi32>
        %select_n3A_993 = arith.select %lt3A_992, %gather3A_986, %gather3A_989 : vector<16xi1>, vector<16xf32>
        %swap3A_994 = arith.constant 4 : i32
        %swap3A_995 = arith.index_cast %scan3A_624 : i32 to index
        %swap3A_996 = arith.index_cast %swap3A_994 : i32 to index
        %swap3A_997 = arith.constant 0 : index
        %swap3A_998 = tpu.vector_load %arg8[%swap3A_995, %swap3A_996, %swap3A_997] {strides = array<i32>} : memref<8x8x64xf32, #tpu.memory_space<vmem>>, vector<16xf32>,
        tpu.vector_store %arg8[%swap3A_995, %swap3A_996, %swap3A_997], %select_n3A_993 {strides = array<i32>} : memref<8x8x64xf32, #tpu.memory_space<vmem>>, vector<16xf32>,
        %broadcast_in_dim3A_999 = vector.shape_cast %select_n3A_617 : vector<16xi32> to vector<16x1xi32>
        %gather3A_1000 = vector.shape_cast %broadcast_in_dim3A_999 : vector<16x1xi32> to vector<16xi32>
        %gather3A_1001 = tpu.dynamic_gather %get3A_968[%gather3A_1000] in [0] : vector<16xf32>, vector<16xi32> -> vector<16xf32>
        %broadcast_in_dim3A_1002 = vector.shape_cast %select_n3A_617 : vector<16xi32> to vector<16x1xi32>
        %gather3A_1003 = vector.shape_cast %broadcast_in_dim3A_1002 : vector<16x1xi32> to vector<16xi32>
        %gather3A_1004 = tpu.dynamic_gather %get3A_971[%gather3A_1003] in [0] : vector<16xf32>, vector<16xi32> -> vector<16xf32>
        %lt3A_1005 = arith.constant 8 : i32
        %lt3A_1006 = vector.broadcast %lt3A_1005 : i32 to vector<16xi32>
        %lt3A_1007 = arith.cmpi slt, %iota3A, %lt3A_1006 : vector<16xi32>
        %select_n3A_1008 = arith.select %lt3A_1007, %gather3A_1001, %gather3A_1004 : vector<16xi1>, vector<16xf32>
        %swap3A_1009 = arith.constant 4 : i32
        %swap3A_1010 = arith.index_cast %scan3A_624 : i32 to index
        %swap3A_1011 = arith.index_cast %swap3A_1009 : i32 to index
        %swap3A_1012 = arith.constant 16 : index
        %swap3A_1013 = tpu.vector_load %arg8[%swap3A_1010, %swap3A_1011, %swap3A_1012] {strides = array<i32>} : memref<8x8x64xf32, #tpu.memory_space<vmem>>, vector<16xf32>,
        tpu.vector_store %arg8[%swap3A_1010, %swap3A_1011, %swap3A_1012], %select_n3A_1008 {strides = array<i32>} : memref<8x8x64xf32, #tpu.memory_space<vmem>>, vector<16xf32>,
        %broadcast_in_dim3A_1014 = vector.shape_cast %select_n3A_617 : vector<16xi32> to vector<16x1xi32>
        %gather3A_1015 = vector.shape_cast %broadcast_in_dim3A_1014 : vector<16x1xi32> to vector<16xi32>
        %gather3A_1016 = tpu.dynamic_gather %get3A_974[%gather3A_1015] in [0] : vector<16xf32>, vector<16xi32> -> vector<16xf32>
        %broadcast_in_dim3A_1017 = vector.shape_cast %select_n3A_617 : vector<16xi32> to vector<16x1xi32>
        %gather3A_1018 = vector.shape_cast %broadcast_in_dim3A_1017 : vector<16x1xi32> to vector<16xi32>
        %gather3A_1019 = tpu.dynamic_gather %get3A_977[%gather3A_1018] in [0] : vector<16xf32>, vector<16xi32> -> vector<16xf32>
        %lt3A_1020 = arith.constant 8 : i32
        %lt3A_1021 = vector.broadcast %lt3A_1020 : i32 to vector<16xi32>
        %lt3A_1022 = arith.cmpi slt, %iota3A, %lt3A_1021 : vector<16xi32>
        %select_n3A_1023 = arith.select %lt3A_1022, %gather3A_1016, %gather3A_1019 : vector<16xi1>, vector<16xf32>
        %swap3A_1024 = arith.constant 4 : i32
        %swap3A_1025 = arith.index_cast %scan3A_624 : i32 to index
        %swap3A_1026 = arith.index_cast %swap3A_1024 : i32 to index
        %swap3A_1027 = arith.constant 32 : index
        %swap3A_1028 = tpu.vector_load %arg8[%swap3A_1025, %swap3A_1026, %swap3A_1027] {strides = array<i32>} : memref<8x8x64xf32, #tpu.memory_space<vmem>>, vector<16xf32>,
        tpu.vector_store %arg8[%swap3A_1025, %swap3A_1026, %swap3A_1027], %select_n3A_1023 {strides = array<i32>} : memref<8x8x64xf32, #tpu.memory_space<vmem>>, vector<16xf32>,
        %broadcast_in_dim3A_1029 = vector.shape_cast %select_n3A_617 : vector<16xi32> to vector<16x1xi32>
        %gather3A_1030 = vector.shape_cast %broadcast_in_dim3A_1029 : vector<16x1xi32> to vector<16xi32>
        %gather3A_1031 = tpu.dynamic_gather %get3A_980[%gather3A_1030] in [0] : vector<16xf32>, vector<16xi32> -> vector<16xf32>
        %broadcast_in_dim3A_1032 = vector.shape_cast %select_n3A_617 : vector<16xi32> to vector<16x1xi32>
        %gather3A_1033 = vector.shape_cast %broadcast_in_dim3A_1032 : vector<16x1xi32> to vector<16xi32>
        %gather3A_1034 = tpu.dynamic_gather %get3A_983[%gather3A_1033] in [0] : vector<16xf32>, vector<16xi32> -> vector<16xf32>
        %lt3A_1035 = arith.constant 8 : i32
        %lt3A_1036 = vector.broadcast %lt3A_1035 : i32 to vector<16xi32>
        %lt3A_1037 = arith.cmpi slt, %iota3A, %lt3A_1036 : vector<16xi32>
        %select_n3A_1038 = arith.select %lt3A_1037, %gather3A_1031, %gather3A_1034 : vector<16xi1>, vector<16xf32>
        %swap3A_1039 = arith.constant 4 : i32
        %swap3A_1040 = arith.index_cast %scan3A_624 : i32 to index
        %swap3A_1041 = arith.index_cast %swap3A_1039 : i32 to index
        %swap3A_1042 = arith.constant 48 : index
        %swap3A_1043 = tpu.vector_load %arg8[%swap3A_1040, %swap3A_1041, %swap3A_1042] {strides = array<i32>} : memref<8x8x64xf32, #tpu.memory_space<vmem>>, vector<16xf32>,
        tpu.vector_store %arg8[%swap3A_1040, %swap3A_1041, %swap3A_1042], %select_n3A_1038 {strides = array<i32>} : memref<8x8x64xf32, #tpu.memory_space<vmem>>, vector<16xf32>,
        %get3A_1044 = arith.index_cast %scan3A_624 : i32 to index
        %get3A_1045 = arith.constant 640 : index
        %get3A_1046 = tpu.vector_load %arg7[%get3A_1044, %get3A_1045] {strides = array<i32>} : memref<8x1024xf32, #tpu.memory_space<vmem>>, vector<16xf32>,
        %get3A_1047 = arith.index_cast %scan3A_624 : i32 to index
        %get3A_1048 = arith.constant 656 : index
        %get3A_1049 = tpu.vector_load %arg7[%get3A_1047, %get3A_1048] {strides = array<i32>} : memref<8x1024xf32, #tpu.memory_space<vmem>>, vector<16xf32>,
        %get3A_1050 = arith.index_cast %scan3A_624 : i32 to index
        %get3A_1051 = arith.constant 672 : index
        %get3A_1052 = tpu.vector_load %arg7[%get3A_1050, %get3A_1051] {strides = array<i32>} : memref<8x1024xf32, #tpu.memory_space<vmem>>, vector<16xf32>,
        %get3A_1053 = arith.index_cast %scan3A_624 : i32 to index
        %get3A_1054 = arith.constant 688 : index
        %get3A_1055 = tpu.vector_load %arg7[%get3A_1053, %get3A_1054] {strides = array<i32>} : memref<8x1024xf32, #tpu.memory_space<vmem>>, vector<16xf32>,
        %get3A_1056 = arith.index_cast %scan3A_624 : i32 to index
        %get3A_1057 = arith.constant 704 : index
        %get3A_1058 = tpu.vector_load %arg7[%get3A_1056, %get3A_1057] {strides = array<i32>} : memref<8x1024xf32, #tpu.memory_space<vmem>>, vector<16xf32>,
        %get3A_1059 = arith.index_cast %scan3A_624 : i32 to index
        %get3A_1060 = arith.constant 720 : index
        %get3A_1061 = tpu.vector_load %arg7[%get3A_1059, %get3A_1060] {strides = array<i32>} : memref<8x1024xf32, #tpu.memory_space<vmem>>, vector<16xf32>,
        %get3A_1062 = arith.index_cast %scan3A_624 : i32 to index
        %get3A_1063 = arith.constant 736 : index
        %get3A_1064 = tpu.vector_load %arg7[%get3A_1062, %get3A_1063] {strides = array<i32>} : memref<8x1024xf32, #tpu.memory_space<vmem>>, vector<16xf32>,
        %get3A_1065 = arith.index_cast %scan3A_624 : i32 to index
        %get3A_1066 = arith.constant 752 : index
        %get3A_1067 = tpu.vector_load %arg7[%get3A_1065, %get3A_1066] {strides = array<i32>} : memref<8x1024xf32, #tpu.memory_space<vmem>>, vector<16xf32>,
        %broadcast_in_dim3A_1068 = vector.shape_cast %select_n3A_617 : vector<16xi32> to vector<16x1xi32>
        %gather3A_1069 = vector.shape_cast %broadcast_in_dim3A_1068 : vector<16x1xi32> to vector<16xi32>
        %gather3A_1070 = tpu.dynamic_gather %get3A_1046[%gather3A_1069] in [0] : vector<16xf32>, vector<16xi32> -> vector<16xf32>
        %broadcast_in_dim3A_1071 = vector.shape_cast %select_n3A_617 : vector<16xi32> to vector<16x1xi32>
        %gather3A_1072 = vector.shape_cast %broadcast_in_dim3A_1071 : vector<16x1xi32> to vector<16xi32>
        %gather3A_1073 = tpu.dynamic_gather %get3A_1049[%gather3A_1072] in [0] : vector<16xf32>, vector<16xi32> -> vector<16xf32>
        %lt3A_1074 = arith.constant 8 : i32
        %lt3A_1075 = vector.broadcast %lt3A_1074 : i32 to vector<16xi32>
        %lt3A_1076 = arith.cmpi slt, %iota3A, %lt3A_1075 : vector<16xi32>
        %select_n3A_1077 = arith.select %lt3A_1076, %gather3A_1070, %gather3A_1073 : vector<16xi1>, vector<16xf32>
        %swap3A_1078 = arith.constant 5 : i32
        %swap3A_1079 = arith.index_cast %scan3A_624 : i32 to index
        %swap3A_1080 = arith.index_cast %swap3A_1078 : i32 to index
        %swap3A_1081 = arith.constant 0 : index
        %swap3A_1082 = tpu.vector_load %arg8[%swap3A_1079, %swap3A_1080, %swap3A_1081] {strides = array<i32>} : memref<8x8x64xf32, #tpu.memory_space<vmem>>, vector<16xf32>,
        tpu.vector_store %arg8[%swap3A_1079, %swap3A_1080, %swap3A_1081], %select_n3A_1077 {strides = array<i32>} : memref<8x8x64xf32, #tpu.memory_space<vmem>>, vector<16xf32>,
        %broadcast_in_dim3A_1083 = vector.shape_cast %select_n3A_617 : vector<16xi32> to vector<16x1xi32>
        %gather3A_1084 = vector.shape_cast %broadcast_in_dim3A_1083 : vector<16x1xi32> to vector<16xi32>
        %gather3A_1085 = tpu.dynamic_gather %get3A_1052[%gather3A_1084] in [0] : vector<16xf32>, vector<16xi32> -> vector<16xf32>
        %broadcast_in_dim3A_1086 = vector.shape_cast %select_n3A_617 : vector<16xi32> to vector<16x1xi32>
        %gather3A_1087 = vector.shape_cast %broadcast_in_dim3A_1086 : vector<16x1xi32> to vector<16xi32>
        %gather3A_1088 = tpu.dynamic_gather %get3A_1055[%gather3A_1087] in [0] : vector<16xf32>, vector<16xi32> -> vector<16xf32>
        %lt3A_1089 = arith.constant 8 : i32
        %lt3A_1090 = vector.broadcast %lt3A_1089 : i32 to vector<16xi32>
        %lt3A_1091 = arith.cmpi slt, %iota3A, %lt3A_1090 : vector<16xi32>
        %select_n3A_1092 = arith.select %lt3A_1091, %gather3A_1085, %gather3A_1088 : vector<16xi1>, vector<16xf32>
        %swap3A_1093 = arith.constant 5 : i32
        %swap3A_1094 = arith.index_cast %scan3A_624 : i32 to index
        %swap3A_1095 = arith.index_cast %swap3A_1093 : i32 to index
        %swap3A_1096 = arith.constant 16 : index
        %swap3A_1097 = tpu.vector_load %arg8[%swap3A_1094, %swap3A_1095, %swap3A_1096] {strides = array<i32>} : memref<8x8x64xf32, #tpu.memory_space<vmem>>, vector<16xf32>,
        tpu.vector_store %arg8[%swap3A_1094, %swap3A_1095, %swap3A_1096], %select_n3A_1092 {strides = array<i32>} : memref<8x8x64xf32, #tpu.memory_space<vmem>>, vector<16xf32>,
        %broadcast_in_dim3A_1098 = vector.shape_cast %select_n3A_617 : vector<16xi32> to vector<16x1xi32>
        %gather3A_1099 = vector.shape_cast %broadcast_in_dim3A_1098 : vector<16x1xi32> to vector<16xi32>
        %gather3A_1100 = tpu.dynamic_gather %get3A_1058[%gather3A_1099] in [0] : vector<16xf32>, vector<16xi32> -> vector<16xf32>
        %broadcast_in_dim3A_1101 = vector.shape_cast %select_n3A_617 : vector<16xi32> to vector<16x1xi32>
        %gather3A_1102 = vector.shape_cast %broadcast_in_dim3A_1101 : vector<16x1xi32> to vector<16xi32>
        %gather3A_1103 = tpu.dynamic_gather %get3A_1061[%gather3A_1102] in [0] : vector<16xf32>, vector<16xi32> -> vector<16xf32>
        %lt3A_1104 = arith.constant 8 : i32
        %lt3A_1105 = vector.broadcast %lt3A_1104 : i32 to vector<16xi32>
        %lt3A_1106 = arith.cmpi slt, %iota3A, %lt3A_1105 : vector<16xi32>
        %select_n3A_1107 = arith.select %lt3A_1106, %gather3A_1100, %gather3A_1103 : vector<16xi1>, vector<16xf32>
        %swap3A_1108 = arith.constant 5 : i32
        %swap3A_1109 = arith.index_cast %scan3A_624 : i32 to index
        %swap3A_1110 = arith.index_cast %swap3A_1108 : i32 to index
        %swap3A_1111 = arith.constant 32 : index
        %swap3A_1112 = tpu.vector_load %arg8[%swap3A_1109, %swap3A_1110, %swap3A_1111] {strides = array<i32>} : memref<8x8x64xf32, #tpu.memory_space<vmem>>, vector<16xf32>,
        tpu.vector_store %arg8[%swap3A_1109, %swap3A_1110, %swap3A_1111], %select_n3A_1107 {strides = array<i32>} : memref<8x8x64xf32, #tpu.memory_space<vmem>>, vector<16xf32>,
        %broadcast_in_dim3A_1113 = vector.shape_cast %select_n3A_617 : vector<16xi32> to vector<16x1xi32>
        %gather3A_1114 = vector.shape_cast %broadcast_in_dim3A_1113 : vector<16x1xi32> to vector<16xi32>
        %gather3A_1115 = tpu.dynamic_gather %get3A_1064[%gather3A_1114] in [0] : vector<16xf32>, vector<16xi32> -> vector<16xf32>
        %broadcast_in_dim3A_1116 = vector.shape_cast %select_n3A_617 : vector<16xi32> to vector<16x1xi32>
        %gather3A_1117 = vector.shape_cast %broadcast_in_dim3A_1116 : vector<16x1xi32> to vector<16xi32>
        %gather3A_1118 = tpu.dynamic_gather %get3A_1067[%gather3A_1117] in [0] : vector<16xf32>, vector<16xi32> -> vector<16xf32>
        %lt3A_1119 = arith.constant 8 : i32
        %lt3A_1120 = vector.broadcast %lt3A_1119 : i32 to vector<16xi32>
        %lt3A_1121 = arith.cmpi slt, %iota3A, %lt3A_1120 : vector<16xi32>
        %select_n3A_1122 = arith.select %lt3A_1121, %gather3A_1115, %gather3A_1118 : vector<16xi1>, vector<16xf32>
        %swap3A_1123 = arith.constant 5 : i32
        %swap3A_1124 = arith.index_cast %scan3A_624 : i32 to index
        %swap3A_1125 = arith.index_cast %swap3A_1123 : i32 to index
        %swap3A_1126 = arith.constant 48 : index
        %swap3A_1127 = tpu.vector_load %arg8[%swap3A_1124, %swap3A_1125, %swap3A_1126] {strides = array<i32>} : memref<8x8x64xf32, #tpu.memory_space<vmem>>, vector<16xf32>,
        tpu.vector_store %arg8[%swap3A_1124, %swap3A_1125, %swap3A_1126], %select_n3A_1122 {strides = array<i32>} : memref<8x8x64xf32, #tpu.memory_space<vmem>>, vector<16xf32>,
        %get3A_1128 = arith.index_cast %scan3A_624 : i32 to index
        %get3A_1129 = arith.constant 768 : index
        %get3A_1130 = tpu.vector_load %arg7[%get3A_1128, %get3A_1129] {strides = array<i32>} : memref<8x1024xf32, #tpu.memory_space<vmem>>, vector<16xf32>,
        %get3A_1131 = arith.index_cast %scan3A_624 : i32 to index
        %get3A_1132 = arith.constant 784 : index
        %get3A_1133 = tpu.vector_load %arg7[%get3A_1131, %get3A_1132] {strides = array<i32>} : memref<8x1024xf32, #tpu.memory_space<vmem>>, vector<16xf32>,
        %get3A_1134 = arith.index_cast %scan3A_624 : i32 to index
        %get3A_1135 = arith.constant 800 : index
        %get3A_1136 = tpu.vector_load %arg7[%get3A_1134, %get3A_1135] {strides = array<i32>} : memref<8x1024xf32, #tpu.memory_space<vmem>>, vector<16xf32>,
        %get3A_1137 = arith.index_cast %scan3A_624 : i32 to index
        %get3A_1138 = arith.constant 816 : index
        %get3A_1139 = tpu.vector_load %arg7[%get3A_1137, %get3A_1138] {strides = array<i32>} : memref<8x1024xf32, #tpu.memory_space<vmem>>, vector<16xf32>,
        %get3A_1140 = arith.index_cast %scan3A_624 : i32 to index
        %get3A_1141 = arith.constant 832 : index
        %get3A_1142 = tpu.vector_load %arg7[%get3A_1140, %get3A_1141] {strides = array<i32>} : memref<8x1024xf32, #tpu.memory_space<vmem>>, vector<16xf32>,
        %get3A_1143 = arith.index_cast %scan3A_624 : i32 to index
        %get3A_1144 = arith.constant 848 : index
        %get3A_1145 = tpu.vector_load %arg7[%get3A_1143, %get3A_1144] {strides = array<i32>} : memref<8x1024xf32, #tpu.memory_space<vmem>>, vector<16xf32>,
        %get3A_1146 = arith.index_cast %scan3A_624 : i32 to index
        %get3A_1147 = arith.constant 864 : index
        %get3A_1148 = tpu.vector_load %arg7[%get3A_1146, %get3A_1147] {strides = array<i32>} : memref<8x1024xf32, #tpu.memory_space<vmem>>, vector<16xf32>,
        %get3A_1149 = arith.index_cast %scan3A_624 : i32 to index
        %get3A_1150 = arith.constant 880 : index
        %get3A_1151 = tpu.vector_load %arg7[%get3A_1149, %get3A_1150] {strides = array<i32>} : memref<8x1024xf32, #tpu.memory_space<vmem>>, vector<16xf32>,
        %broadcast_in_dim3A_1152 = vector.shape_cast %select_n3A_617 : vector<16xi32> to vector<16x1xi32>
        %gather3A_1153 = vector.shape_cast %broadcast_in_dim3A_1152 : vector<16x1xi32> to vector<16xi32>
        %gather3A_1154 = tpu.dynamic_gather %get3A_1130[%gather3A_1153] in [0] : vector<16xf32>, vector<16xi32> -> vector<16xf32>
        %broadcast_in_dim3A_1155 = vector.shape_cast %select_n3A_617 : vector<16xi32> to vector<16x1xi32>
        %gather3A_1156 = vector.shape_cast %broadcast_in_dim3A_1155 : vector<16x1xi32> to vector<16xi32>
        %gather3A_1157 = tpu.dynamic_gather %get3A_1133[%gather3A_1156] in [0] : vector<16xf32>, vector<16xi32> -> vector<16xf32>
        %lt3A_1158 = arith.constant 8 : i32
        %lt3A_1159 = vector.broadcast %lt3A_1158 : i32 to vector<16xi32>
        %lt3A_1160 = arith.cmpi slt, %iota3A, %lt3A_1159 : vector<16xi32>
        %select_n3A_1161 = arith.select %lt3A_1160, %gather3A_1154, %gather3A_1157 : vector<16xi1>, vector<16xf32>
        %swap3A_1162 = arith.constant 6 : i32
        %swap3A_1163 = arith.index_cast %scan3A_624 : i32 to index
        %swap3A_1164 = arith.index_cast %swap3A_1162 : i32 to index
        %swap3A_1165 = arith.constant 0 : index
        %swap3A_1166 = tpu.vector_load %arg8[%swap3A_1163, %swap3A_1164, %swap3A_1165] {strides = array<i32>} : memref<8x8x64xf32, #tpu.memory_space<vmem>>, vector<16xf32>,
        tpu.vector_store %arg8[%swap3A_1163, %swap3A_1164, %swap3A_1165], %select_n3A_1161 {strides = array<i32>} : memref<8x8x64xf32, #tpu.memory_space<vmem>>, vector<16xf32>,
        %broadcast_in_dim3A_1167 = vector.shape_cast %select_n3A_617 : vector<16xi32> to vector<16x1xi32>
        %gather3A_1168 = vector.shape_cast %broadcast_in_dim3A_1167 : vector<16x1xi32> to vector<16xi32>
        %gather3A_1169 = tpu.dynamic_gather %get3A_1136[%gather3A_1168] in [0] : vector<16xf32>, vector<16xi32> -> vector<16xf32>
        %broadcast_in_dim3A_1170 = vector.shape_cast %select_n3A_617 : vector<16xi32> to vector<16x1xi32>
        %gather3A_1171 = vector.shape_cast %broadcast_in_dim3A_1170 : vector<16x1xi32> to vector<16xi32>
        %gather3A_1172 = tpu.dynamic_gather %get3A_1139[%gather3A_1171] in [0] : vector<16xf32>, vector<16xi32> -> vector<16xf32>
        %lt3A_1173 = arith.constant 8 : i32
        %lt3A_1174 = vector.broadcast %lt3A_1173 : i32 to vector<16xi32>
        %lt3A_1175 = arith.cmpi slt, %iota3A, %lt3A_1174 : vector<16xi32>
        %select_n3A_1176 = arith.select %lt3A_1175, %gather3A_1169, %gather3A_1172 : vector<16xi1>, vector<16xf32>
        %swap3A_1177 = arith.constant 6 : i32
        %swap3A_1178 = arith.index_cast %scan3A_624 : i32 to index
        %swap3A_1179 = arith.index_cast %swap3A_1177 : i32 to index
        %swap3A_1180 = arith.constant 16 : index
        %swap3A_1181 = tpu.vector_load %arg8[%swap3A_1178, %swap3A_1179, %swap3A_1180] {strides = array<i32>} : memref<8x8x64xf32, #tpu.memory_space<vmem>>, vector<16xf32>,
        tpu.vector_store %arg8[%swap3A_1178, %swap3A_1179, %swap3A_1180], %select_n3A_1176 {strides = array<i32>} : memref<8x8x64xf32, #tpu.memory_space<vmem>>, vector<16xf32>,
        %broadcast_in_dim3A_1182 = vector.shape_cast %select_n3A_617 : vector<16xi32> to vector<16x1xi32>
        %gather3A_1183 = vector.shape_cast %broadcast_in_dim3A_1182 : vector<16x1xi32> to vector<16xi32>
        %gather3A_1184 = tpu.dynamic_gather %get3A_1142[%gather3A_1183] in [0] : vector<16xf32>, vector<16xi32> -> vector<16xf32>
        %broadcast_in_dim3A_1185 = vector.shape_cast %select_n3A_617 : vector<16xi32> to vector<16x1xi32>
        %gather3A_1186 = vector.shape_cast %broadcast_in_dim3A_1185 : vector<16x1xi32> to vector<16xi32>
        %gather3A_1187 = tpu.dynamic_gather %get3A_1145[%gather3A_1186] in [0] : vector<16xf32>, vector<16xi32> -> vector<16xf32>
        %lt3A_1188 = arith.constant 8 : i32
        %lt3A_1189 = vector.broadcast %lt3A_1188 : i32 to vector<16xi32>
        %lt3A_1190 = arith.cmpi slt, %iota3A, %lt3A_1189 : vector<16xi32>
        %select_n3A_1191 = arith.select %lt3A_1190, %gather3A_1184, %gather3A_1187 : vector<16xi1>, vector<16xf32>
        %swap3A_1192 = arith.constant 6 : i32
        %swap3A_1193 = arith.index_cast %scan3A_624 : i32 to index
        %swap3A_1194 = arith.index_cast %swap3A_1192 : i32 to index
        %swap3A_1195 = arith.constant 32 : index
        %swap3A_1196 = tpu.vector_load %arg8[%swap3A_1193, %swap3A_1194, %swap3A_1195] {strides = array<i32>} : memref<8x8x64xf32, #tpu.memory_space<vmem>>, vector<16xf32>,
        tpu.vector_store %arg8[%swap3A_1193, %swap3A_1194, %swap3A_1195], %select_n3A_1191 {strides = array<i32>} : memref<8x8x64xf32, #tpu.memory_space<vmem>>, vector<16xf32>,
        %broadcast_in_dim3A_1197 = vector.shape_cast %select_n3A_617 : vector<16xi32> to vector<16x1xi32>
        %gather3A_1198 = vector.shape_cast %broadcast_in_dim3A_1197 : vector<16x1xi32> to vector<16xi32>
        %gather3A_1199 = tpu.dynamic_gather %get3A_1148[%gather3A_1198] in [0] : vector<16xf32>, vector<16xi32> -> vector<16xf32>
        %broadcast_in_dim3A_1200 = vector.shape_cast %select_n3A_617 : vector<16xi32> to vector<16x1xi32>
        %gather3A_1201 = vector.shape_cast %broadcast_in_dim3A_1200 : vector<16x1xi32> to vector<16xi32>
        %gather3A_1202 = tpu.dynamic_gather %get3A_1151[%gather3A_1201] in [0] : vector<16xf32>, vector<16xi32> -> vector<16xf32>
        %lt3A_1203 = arith.constant 8 : i32
        %lt3A_1204 = vector.broadcast %lt3A_1203 : i32 to vector<16xi32>
        %lt3A_1205 = arith.cmpi slt, %iota3A, %lt3A_1204 : vector<16xi32>
        %select_n3A_1206 = arith.select %lt3A_1205, %gather3A_1199, %gather3A_1202 : vector<16xi1>, vector<16xf32>
        %swap3A_1207 = arith.constant 6 : i32
        %swap3A_1208 = arith.index_cast %scan3A_624 : i32 to index
        %swap3A_1209 = arith.index_cast %swap3A_1207 : i32 to index
        %swap3A_1210 = arith.constant 48 : index
        %swap3A_1211 = tpu.vector_load %arg8[%swap3A_1208, %swap3A_1209, %swap3A_1210] {strides = array<i32>} : memref<8x8x64xf32, #tpu.memory_space<vmem>>, vector<16xf32>,
        tpu.vector_store %arg8[%swap3A_1208, %swap3A_1209, %swap3A_1210], %select_n3A_1206 {strides = array<i32>} : memref<8x8x64xf32, #tpu.memory_space<vmem>>, vector<16xf32>,
        %get3A_1212 = arith.index_cast %scan3A_624 : i32 to index
        %get3A_1213 = arith.constant 896 : index
        %get3A_1214 = tpu.vector_load %arg7[%get3A_1212, %get3A_1213] {strides = array<i32>} : memref<8x1024xf32, #tpu.memory_space<vmem>>, vector<16xf32>,
        %get3A_1215 = arith.index_cast %scan3A_624 : i32 to index
        %get3A_1216 = arith.constant 912 : index
        %get3A_1217 = tpu.vector_load %arg7[%get3A_1215, %get3A_1216] {strides = array<i32>} : memref<8x1024xf32, #tpu.memory_space<vmem>>, vector<16xf32>,
        %get3A_1218 = arith.index_cast %scan3A_624 : i32 to index
        %get3A_1219 = arith.constant 928 : index
        %get3A_1220 = tpu.vector_load %arg7[%get3A_1218, %get3A_1219] {strides = array<i32>} : memref<8x1024xf32, #tpu.memory_space<vmem>>, vector<16xf32>,
        %get3A_1221 = arith.index_cast %scan3A_624 : i32 to index
        %get3A_1222 = arith.constant 944 : index
        %get3A_1223 = tpu.vector_load %arg7[%get3A_1221, %get3A_1222] {strides = array<i32>} : memref<8x1024xf32, #tpu.memory_space<vmem>>, vector<16xf32>,
        %get3A_1224 = arith.index_cast %scan3A_624 : i32 to index
        %get3A_1225 = arith.constant 960 : index
        %get3A_1226 = tpu.vector_load %arg7[%get3A_1224, %get3A_1225] {strides = array<i32>} : memref<8x1024xf32, #tpu.memory_space<vmem>>, vector<16xf32>,
        %get3A_1227 = arith.index_cast %scan3A_624 : i32 to index
        %get3A_1228 = arith.constant 976 : index
        %get3A_1229 = tpu.vector_load %arg7[%get3A_1227, %get3A_1228] {strides = array<i32>} : memref<8x1024xf32, #tpu.memory_space<vmem>>, vector<16xf32>,
        %get3A_1230 = arith.index_cast %scan3A_624 : i32 to index
        %get3A_1231 = arith.constant 992 : index
        %get3A_1232 = tpu.vector_load %arg7[%get3A_1230, %get3A_1231] {strides = array<i32>} : memref<8x1024xf32, #tpu.memory_space<vmem>>, vector<16xf32>,
        %get3A_1233 = arith.index_cast %scan3A_624 : i32 to index
        %get3A_1234 = arith.constant 1008 : index
        %get3A_1235 = tpu.vector_load %arg7[%get3A_1233, %get3A_1234] {strides = array<i32>} : memref<8x1024xf32, #tpu.memory_space<vmem>>, vector<16xf32>,
        %broadcast_in_dim3A_1236 = vector.shape_cast %select_n3A_617 : vector<16xi32> to vector<16x1xi32>
        %gather3A_1237 = vector.shape_cast %broadcast_in_dim3A_1236 : vector<16x1xi32> to vector<16xi32>
        %gather3A_1238 = tpu.dynamic_gather %get3A_1214[%gather3A_1237] in [0] : vector<16xf32>, vector<16xi32> -> vector<16xf32>
        %broadcast_in_dim3A_1239 = vector.shape_cast %select_n3A_617 : vector<16xi32> to vector<16x1xi32>
        %gather3A_1240 = vector.shape_cast %broadcast_in_dim3A_1239 : vector<16x1xi32> to vector<16xi32>
        %gather3A_1241 = tpu.dynamic_gather %get3A_1217[%gather3A_1240] in [0] : vector<16xf32>, vector<16xi32> -> vector<16xf32>
        %lt3A_1242 = arith.constant 8 : i32
        %lt3A_1243 = vector.broadcast %lt3A_1242 : i32 to vector<16xi32>
        %lt3A_1244 = arith.cmpi slt, %iota3A, %lt3A_1243 : vector<16xi32>
        %select_n3A_1245 = arith.select %lt3A_1244, %gather3A_1238, %gather3A_1241 : vector<16xi1>, vector<16xf32>
        %swap3A_1246 = arith.constant 7 : i32
        %swap3A_1247 = arith.index_cast %scan3A_624 : i32 to index
        %swap3A_1248 = arith.index_cast %swap3A_1246 : i32 to index
        %swap3A_1249 = arith.constant 0 : index
        %swap3A_1250 = tpu.vector_load %arg8[%swap3A_1247, %swap3A_1248, %swap3A_1249] {strides = array<i32>} : memref<8x8x64xf32, #tpu.memory_space<vmem>>, vector<16xf32>,
        tpu.vector_store %arg8[%swap3A_1247, %swap3A_1248, %swap3A_1249], %select_n3A_1245 {strides = array<i32>} : memref<8x8x64xf32, #tpu.memory_space<vmem>>, vector<16xf32>,
        %broadcast_in_dim3A_1251 = vector.shape_cast %select_n3A_617 : vector<16xi32> to vector<16x1xi32>
        %gather3A_1252 = vector.shape_cast %broadcast_in_dim3A_1251 : vector<16x1xi32> to vector<16xi32>
        %gather3A_1253 = tpu.dynamic_gather %get3A_1220[%gather3A_1252] in [0] : vector<16xf32>, vector<16xi32> -> vector<16xf32>
        %broadcast_in_dim3A_1254 = vector.shape_cast %select_n3A_617 : vector<16xi32> to vector<16x1xi32>
        %gather3A_1255 = vector.shape_cast %broadcast_in_dim3A_1254 : vector<16x1xi32> to vector<16xi32>
        %gather3A_1256 = tpu.dynamic_gather %get3A_1223[%gather3A_1255] in [0] : vector<16xf32>, vector<16xi32> -> vector<16xf32>
        %lt3A_1257 = arith.constant 8 : i32
        %lt3A_1258 = vector.broadcast %lt3A_1257 : i32 to vector<16xi32>
        %lt3A_1259 = arith.cmpi slt, %iota3A, %lt3A_1258 : vector<16xi32>
        %select_n3A_1260 = arith.select %lt3A_1259, %gather3A_1253, %gather3A_1256 : vector<16xi1>, vector<16xf32>
        %swap3A_1261 = arith.constant 7 : i32
        %swap3A_1262 = arith.index_cast %scan3A_624 : i32 to index
        %swap3A_1263 = arith.index_cast %swap3A_1261 : i32 to index
        %swap3A_1264 = arith.constant 16 : index
        %swap3A_1265 = tpu.vector_load %arg8[%swap3A_1262, %swap3A_1263, %swap3A_1264] {strides = array<i32>} : memref<8x8x64xf32, #tpu.memory_space<vmem>>, vector<16xf32>,
        tpu.vector_store %arg8[%swap3A_1262, %swap3A_1263, %swap3A_1264], %select_n3A_1260 {strides = array<i32>} : memref<8x8x64xf32, #tpu.memory_space<vmem>>, vector<16xf32>,
        %broadcast_in_dim3A_1266 = vector.shape_cast %select_n3A_617 : vector<16xi32> to vector<16x1xi32>
        %gather3A_1267 = vector.shape_cast %broadcast_in_dim3A_1266 : vector<16x1xi32> to vector<16xi32>
        %gather3A_1268 = tpu.dynamic_gather %get3A_1226[%gather3A_1267] in [0] : vector<16xf32>, vector<16xi32> -> vector<16xf32>
        %broadcast_in_dim3A_1269 = vector.shape_cast %select_n3A_617 : vector<16xi32> to vector<16x1xi32>
        %gather3A_1270 = vector.shape_cast %broadcast_in_dim3A_1269 : vector<16x1xi32> to vector<16xi32>
        %gather3A_1271 = tpu.dynamic_gather %get3A_1229[%gather3A_1270] in [0] : vector<16xf32>, vector<16xi32> -> vector<16xf32>
        %lt3A_1272 = arith.constant 8 : i32
        %lt3A_1273 = vector.broadcast %lt3A_1272 : i32 to vector<16xi32>
        %lt3A_1274 = arith.cmpi slt, %iota3A, %lt3A_1273 : vector<16xi32>
        %select_n3A_1275 = arith.select %lt3A_1274, %gather3A_1268, %gather3A_1271 : vector<16xi1>, vector<16xf32>
        %swap3A_1276 = arith.constant 7 : i32
        %swap3A_1277 = arith.index_cast %scan3A_624 : i32 to index
        %swap3A_1278 = arith.index_cast %swap3A_1276 : i32 to index
        %swap3A_1279 = arith.constant 32 : index
        %swap3A_1280 = tpu.vector_load %arg8[%swap3A_1277, %swap3A_1278, %swap3A_1279] {strides = array<i32>} : memref<8x8x64xf32, #tpu.memory_space<vmem>>, vector<16xf32>,
        tpu.vector_store %arg8[%swap3A_1277, %swap3A_1278, %swap3A_1279], %select_n3A_1275 {strides = array<i32>} : memref<8x8x64xf32, #tpu.memory_space<vmem>>, vector<16xf32>,
        %broadcast_in_dim3A_1281 = vector.shape_cast %select_n3A_617 : vector<16xi32> to vector<16x1xi32>
        %gather3A_1282 = vector.shape_cast %broadcast_in_dim3A_1281 : vector<16x1xi32> to vector<16xi32>
        %gather3A_1283 = tpu.dynamic_gather %get3A_1232[%gather3A_1282] in [0] : vector<16xf32>, vector<16xi32> -> vector<16xf32>
        %broadcast_in_dim3A_1284 = vector.shape_cast %select_n3A_617 : vector<16xi32> to vector<16x1xi32>
        %gather3A_1285 = vector.shape_cast %broadcast_in_dim3A_1284 : vector<16x1xi32> to vector<16xi32>
        %gather3A_1286 = tpu.dynamic_gather %get3A_1235[%gather3A_1285] in [0] : vector<16xf32>, vector<16xi32> -> vector<16xf32>
        %lt3A_1287 = arith.constant 8 : i32
        %lt3A_1288 = vector.broadcast %lt3A_1287 : i32 to vector<16xi32>
        %lt3A_1289 = arith.cmpi slt, %iota3A, %lt3A_1288 : vector<16xi32>
        %select_n3A_1290 = arith.select %lt3A_1289, %gather3A_1283, %gather3A_1286 : vector<16xi1>, vector<16xf32>
        %swap3A_1291 = arith.constant 7 : i32
        %swap3A_1292 = arith.index_cast %scan3A_624 : i32 to index
        %swap3A_1293 = arith.index_cast %swap3A_1291 : i32 to index
        %swap3A_1294 = arith.constant 48 : index
        %swap3A_1295 = tpu.vector_load %arg8[%swap3A_1292, %swap3A_1293, %swap3A_1294] {strides = array<i32>} : memref<8x8x64xf32, #tpu.memory_space<vmem>>, vector<16xf32>,
        tpu.vector_store %arg8[%swap3A_1292, %swap3A_1293, %swap3A_1294], %select_n3A_1290 {strides = array<i32>} : memref<8x8x64xf32, #tpu.memory_space<vmem>>, vector<16xf32>,
        %scan3A_1296 = arith.constant 0 : i32
        scf.yield %scan3A_1296 : i32
      }
      %scan3A_623 = arith.constant 8 : i32
    } else {
    }
    %not3A = arith.constant true
    %not3A_568 = arith.xori %eq3A_566, %not3A : i1
    %convert_element_type3A_569 = arith.extui %not3A_568 : i1 to i32
    %cond3A_570 = arith.constant 0 : i32
    %cond3A_571 = arith.cmpi ne, %convert_element_type3A_569, %cond3A_570 : i32
    scf.if %cond3A_571 {
      %scan3A = arith.constant 0 : i32
      %scan3A_578 = arith.constant 0 : i32
      %scan3A_579 = arith.constant 64 : i32
      %scan3A_580 = arith.addi %scan3A_578, %scan3A_579 : i32
      %scan3A_581 = arith.constant 1 : i32
      %scan3A_582 = scf.for %scan3A_598 = %scan3A_578 to %scan3A_580 step %scan3A_581 iter_args(%scan3A_599 = %scan3A) -> (i32)  : i32 {
        %shift_right_arithmetic3A_600 = arith.constant 3 : i32
        %shift_right_arithmetic3A_601 = arith.shrsi %scan3A_598, %shift_right_arithmetic3A_600 : i32
        %mul3A_602 = arith.constant 32768 : i32
        %mul3A_603 = arith.muli %shift_right_arithmetic3A_601, %mul3A_602 : i32
        %and3A_604 = arith.constant 7 : i32
        %and3A_605 = arith.andi %scan3A_598, %and3A_604 : i32
        %mul3A_606 = arith.constant 128 : i32
        %mul3A_607 = arith.muli %and3A_605, %mul3A_606 : i32
        %add3A_608 = arith.addi %mul3A_603, %mul3A_607 : i32
        %add3A_609 = vector.broadcast %add3A_608 : i32 to vector<16xi32>
        %add3A_610 = arith.addi %add3A_144, %add3A_609 : vector<16xi32>
        %swap3A = arith.index_cast %scan3A_598 : i32 to index
        %swap3A_611 = arith.constant 0 : index
        %swap3A_612 = tpu.vector_load %arg6[%swap3A, %swap3A_611] {strides = array<i32>} : memref<64x64xi32, #tpu.memory_space<vmem>>, vector<16xi32>,
        tpu.vector_store %arg6[%swap3A, %swap3A_611], %add3A_610 {strides = array<i32>} : memref<64x64xi32, #tpu.memory_space<vmem>>, vector<16xi32>,
        %add3A_613 = vector.broadcast %add3A_608 : i32 to vector<16xi32>
        %add3A_614 = arith.addi %add3A_278, %add3A_613 : vector<16xi32>
        %swap3A_615 = arith.index_cast %scan3A_598 : i32 to index
        %swap3A_616 = arith.constant 16 : index
        %swap3A_617 = tpu.vector_load %arg6[%swap3A_615, %swap3A_616] {strides = array<i32>} : memref<64x64xi32, #tpu.memory_space<vmem>>, vector<16xi32>,
        tpu.vector_store %arg6[%swap3A_615, %swap3A_616], %add3A_614 {strides = array<i32>} : memref<64x64xi32, #tpu.memory_space<vmem>>, vector<16xi32>,
        %add3A_618 = vector.broadcast %add3A_608 : i32 to vector<16xi32>
        %add3A_619 = arith.addi %add3A_412, %add3A_618 : vector<16xi32>
        %swap3A_620 = arith.index_cast %scan3A_598 : i32 to index
        %swap3A_621 = arith.constant 32 : index
        %swap3A_622 = tpu.vector_load %arg6[%swap3A_620, %swap3A_621] {strides = array<i32>} : memref<64x64xi32, #tpu.memory_space<vmem>>, vector<16xi32>,
        tpu.vector_store %arg6[%swap3A_620, %swap3A_621], %add3A_619 {strides = array<i32>} : memref<64x64xi32, #tpu.memory_space<vmem>>, vector<16xi32>,
        %add3A_623 = vector.broadcast %add3A_608 : i32 to vector<16xi32>
        %add3A_624 = arith.addi %add3A_546, %add3A_623 : vector<16xi32>
        %swap3A_625 = arith.index_cast %scan3A_598 : i32 to index
        %swap3A_626 = arith.constant 48 : index
        %swap3A_627 = tpu.vector_load %arg6[%swap3A_625, %swap3A_626] {strides = array<i32>} : memref<64x64xi32, #tpu.memory_space<vmem>>, vector<16xi32>,
        tpu.vector_store %arg6[%swap3A_625, %swap3A_626], %add3A_624 {strides = array<i32>} : memref<64x64xi32, #tpu.memory_space<vmem>>, vector<16xi32>,
        %scan3A_628 = arith.constant 0 : i32
        scf.yield %scan3A_628 : i32
      }
      %scan3A_583 = arith.constant 64 : i32
      %scan3A_584 = arith.constant 0 : i32
      %scan3A_585 = arith.constant 0 : i32
      %scan3A_586 = arith.constant 64 : i32
      %scan3A_587 = arith.addi %scan3A_585, %scan3A_586 : i32
      %scan3A_588 = arith.constant 1 : i32
      %scan3A_589 = scf.for %scan3A_598 = %scan3A_585 to %scan3A_587 step %scan3A_588 iter_args(%scan3A_599 = %scan3A_584) -> (i32)  : i32 {
        %shift_right_arithmetic3A_600 = arith.constant 3 : i32
        %shift_right_arithmetic3A_601 = arith.shrsi %scan3A_598, %shift_right_arithmetic3A_600 : i32
        %and3A_602 = arith.constant 7 : i32
        %and3A_603 = arith.andi %scan3A_598, %and3A_602 : i32
        %dma_start3A = arith.constant 0 : i32
        %dma_start3A_604 = tpu.memref_slice %arg8[%shift_right_arithmetic3A_601, %and3A_603, %dma_start3A] : memref<8x8x64xf32, #tpu.memory_space<vmem>> -> memref<1x1x64xf32, #tpu.memory_space<vmem>>
        %dma_start3A_605 = tpu.memref_squeeze %dma_start3A_604 : memref<1x1x64xf32, #tpu.memory_space<vmem>> -> memref<64xf32, #tpu.memory_space<vmem>>
        %dma_start3A_606 = arith.constant 0 : i32
        %dma_start3A_607 = tpu.memref_slice %arg6[%scan3A_598, %dma_start3A_606] : memref<64x64xi32, #tpu.memory_space<vmem>> -> memref<1x64xi32, #tpu.memory_space<vmem>>
        %dma_start3A_608 = tpu.memref_squeeze %dma_start3A_607 : memref<1x64xi32, #tpu.memory_space<vmem>> -> memref<64xi32, #tpu.memory_space<vmem>>
        %dma_start3A_609 = arith.constant 0 : i32
        %dma_start3A_610 = tpu.memref_slice %arg3[%dma_start3A_609] : memref<52428800xf32, #tpu.memory_space<hbm>> -> memref<52428800xf32, #tpu.memory_space<hbm>>
        tpu.enqueue_indirect_dma source(%dma_start3A_610 : memref<52428800xf32, #tpu.memory_space<hbm>>) target(%dma_start3A_605 : memref<64xf32, #tpu.memory_space<vmem>>) offsets(%dma_start3A_608 : memref<64xi32, #tpu.memory_space<vmem>>) semaphore(%arg9 : memref<!tpu.dma_semaphore, #tpu.memory_space<semaphore_mem>>)
        %scan3A_611 = arith.constant 0 : i32
        scf.yield %scan3A_611 : i32
      }
      %scan3A_590 = arith.constant 64 : i32
      %scan3A_591 = arith.constant 0 : i32
      %scan3A_592 = arith.constant 0 : i32
      %scan3A_593 = arith.constant 64 : i32
      %scan3A_594 = arith.addi %scan3A_592, %scan3A_593 : i32
      %scan3A_595 = arith.constant 1 : i32
      %scan3A_596 = scf.for %scan3A_598 = %scan3A_592 to %scan3A_594 step %scan3A_595 iter_args(%scan3A_599 = %scan3A_591) -> (i32)  : i32 {
        %shift_right_arithmetic3A_600 = arith.constant 3 : i32
        %shift_right_arithmetic3A_601 = arith.shrsi %scan3A_598, %shift_right_arithmetic3A_600 : i32
        %and3A_602 = arith.constant 7 : i32
        %and3A_603 = arith.andi %scan3A_598, %and3A_602 : i32
        %dma_wait3A = arith.constant 0 : i32
        %dma_wait3A_604 = tpu.memref_slice %arg8[%shift_right_arithmetic3A_601, %and3A_603, %dma_wait3A] : memref<8x8x64xf32, #tpu.memory_space<vmem>> -> memref<1x1x64xf32, #tpu.memory_space<vmem>>
        %dma_wait3A_605 = tpu.memref_squeeze %dma_wait3A_604 : memref<1x1x64xf32, #tpu.memory_space<vmem>> -> memref<64xf32, #tpu.memory_space<vmem>>
        %dma_wait3A_606 = arith.constant 0 : i32
        %dma_wait3A_607 = tpu.memref_slice %arg6[%scan3A_598, %dma_wait3A_606] : memref<64x64xi32, #tpu.memory_space<vmem>> -> memref<1x64xi32, #tpu.memory_space<vmem>>
        %dma_wait3A_608 = tpu.memref_squeeze %dma_wait3A_607 : memref<1x64xi32, #tpu.memory_space<vmem>> -> memref<64xi32, #tpu.memory_space<vmem>>
        %dma_wait3A_609 = arith.constant 0 : i32
        %dma_wait3A_610 = tpu.memref_slice %arg3[%dma_wait3A_609] : memref<52428800xf32, #tpu.memory_space<hbm>> -> memref<52428800xf32, #tpu.memory_space<hbm>>
        tpu.wait_indirect_dma semaphore(%arg9 : memref<!tpu.dma_semaphore, #tpu.memory_space<semaphore_mem>>) src(%dma_wait3A_610 : memref<52428800xf32, #tpu.memory_space<hbm>>) dst(%dma_wait3A_605 : memref<64xf32, #tpu.memory_space<vmem>>)
        %scan3A_611 = arith.constant 0 : i32
        scf.yield %scan3A_611 : i32
      }
      %scan3A_597 = arith.constant 64 : i32
    } else {
    }
    %shift_right_arithmetic3A = arith.constant 1 : i32
    %shift_right_arithmetic3A_572 = arith.shrsi %add3A, %shift_right_arithmetic3A : i32
    %mul3A_573 = arith.constant 8 : i32
    %mul3A_574 = arith.muli %shift_right_arithmetic3A_572, %mul3A_573 : i32
    %and3A = arith.constant 1 : i32
    %and3A_575 = arith.andi %add3A, %and3A : i32
    %mul3A_576 = arith.constant 64 : i32
    %mul3A_577 = arith.muli %and3A_575, %mul3A_576 : i32
    "tpu.region"() ({
      %run_scoped3A = tpu.sem_alloc : memref<!tpu.dma_semaphore, #tpu.memory_space<semaphore_mem>>
      %dma_start3A = arith.constant 0 : i32
      %dma_start3A_578 = tpu.memref_slice %arg4[%dma_start3A, %mul3A_574, %mul3A_577] : memref<8x128x128xf32, #tpu.memory_space<hbm>> -> memref<8x8x64xf32, #tpu.memory_space<hbm>>
      %dma_start3A_579 = arith.constant 0 : i32
      %dma_start3A_580 = tpu.memref_slice %arg4[%dma_start3A_579, %mul3A_574, %mul3A_577] : memref<8x128x128xf32, #tpu.memory_space<hbm>> -> memref<8x8x64xf32, #tpu.memory_space<hbm>>
      tpu.enqueue_dma source(%arg8 : memref<8x8x64xf32, #tpu.memory_space<vmem>>) target(%dma_start3A_580 : memref<8x8x64xf32, #tpu.memory_space<hbm>>) target_semaphore(%run_scoped3A : memref<!tpu.dma_semaphore, #tpu.memory_space<semaphore_mem>>)
      %dma_wait3A = arith.constant 0 : i32
      %dma_wait3A_581 = tpu.memref_slice %arg4[%dma_wait3A, %mul3A_574, %mul3A_577] : memref<8x128x128xf32, #tpu.memory_space<hbm>> -> memref<8x8x64xf32, #tpu.memory_space<hbm>>
      %dma_wait3A_582 = arith.constant 0 : i32
      %dma_wait3A_583 = tpu.memref_slice %arg4[%dma_wait3A_582, %mul3A_574, %mul3A_577] : memref<8x128x128xf32, #tpu.memory_space<hbm>> -> memref<8x8x64xf32, #tpu.memory_space<hbm>>
      tpu.wait_dma2 semaphore(%run_scoped3A : memref<!tpu.dma_semaphore, #tpu.memory_space<semaphore_mem>>) src(%arg8 : memref<8x8x64xf32, #tpu.memory_space<vmem>>) dst(%dma_wait3A_583 : memref<8x8x64xf32, #tpu.memory_space<hbm>>)
      tpu.yield
    }) : () -> ()
    return
  }
}

module attributes {stable_mosaic.version = 14 : i64} {
  func.func @body(%arg0: memref<200x4096xi8, #tpu.memory_space<vmem>>, %arg1: memref<8x4096xi32, #tpu.memory_space<vmem>>) attributes {dimension_semantics = [], scalar_prefetch = 0 : i64, scratch_operands = 0 : i64, tpu.core_type = #tpu.core_type<tc>} {
    %get3A = arith.constant 0 : index
    %get3A_0 = arith.constant 0 : index
    %get3A_1 = vector.load %arg0[%get3A, %get3A_0] : memref<200x4096xi8, #tpu.memory_space<vmem>>, vector<200x4096xi8>
    %convert_element_type3A = arith.extsi %get3A_1 : vector<200x4096xi8> to vector<200x4096xi32>
    %reduce_sum3A = arith.constant dense<0> : vector<4096xi32>
    %reduce_sum3A_2 = vector.multi_reduction <add>, %convert_element_type3A, %reduce_sum3A [0] : vector<200x4096xi32> to vector<4096xi32>
    %broadcast_in_dim3A = vector.shape_cast %reduce_sum3A_2 : vector<4096xi32> to vector<1x4096xi32>
    %broadcast_in_dim3A_3 = vector.shape_cast %broadcast_in_dim3A : vector<1x4096xi32> to vector<1x4096xi32>
    %broadcast_in_dim3A_4 = vector.broadcast %broadcast_in_dim3A_3 : vector<1x4096xi32> to vector<8x4096xi32>
    %swap3A = arith.constant 0 : index
    %swap3A_5 = arith.constant 0 : index
    %swap3A_6 = vector.load %arg1[%swap3A, %swap3A_5] : memref<8x4096xi32, #tpu.memory_space<vmem>>, vector<8x4096xi32>
    tpu.vector_store %arg1[%swap3A, %swap3A_5], %broadcast_in_dim3A_4 {strides = array<i32>} : memref<8x4096xi32, #tpu.memory_space<vmem>>, vector<8x4096xi32>,
    return
  }
}

</mosaic_0001>

<sc_bundles>
// kernel: kernel.4.cloned.1.call-start
scs
__scs_entry_jumppad:
0x0: {  	(pc) =	sbr.rel $0x88, $3  }
0x1: {  	(tag) =	ssettag $0x0;
	lr =	simm.s32 $0x1  }
0x2: {  	[smem:$0x3F9F] =	sst lr;
	_ =	strace $0xD0000000  }
0x3: {  	_ = 	snop  }
0x4: {  	_ = 	snop  }
0x5: {  	_ = 	snop  }
0x6: {  	_ = 	snop  }
0x7: {  	_ = 	snop  }
__scs_overlays_trampoline_lowered:
0x8: {  	[smem:$0x3FAE] =	sst s0  }
0x9: {  	[smem:$0x3FAF] =	sst s1  }
0xa: {  	[smem:$0x3FB0] =	sst s2  }
0xb: {  	[smem:$0x3FB1] =	sst s3  }
0xc: {  	[smem:$0x3FB2] =	sst s4  }
0xd: {  	[smem:$0x3FB3] =	sst s5  }
0xe: {  	[smem:$0x3FB4] =	sst s6  }
0xf: {  	[smem:$0x3FB5] =	sst s7  }
0x10: {  	[smem:$0x3FB6] =	sst s8  }
0x11: {  	[smem:$0x3FB7] =	sst s9;
	s0 =	simm.s32 @!p0 $0x0  }
0x12: {  	s1 =	sld [smem:$0x3F9D];
	s0 =	simm.s32 @p0 $0x1  }
0x13: {  	[smem:$0x3FB8] =	sst s0;
	s0 =	simm.s32 @!p1 $0x0  }
0x14: {  	s2 =	sld [smem:$0x3F9C];
	s0 =	simm.s32 @p1 $0x1  }
0x15: {  	[smem:$0x3FB9] =	sst s0;
	s0 =	simm.s32 @!p2 $0x0  }
0x16: {  	s3 =	sld [smem:$0x3FDB];
	s0 =	simm.s32 @p2 $0x1  }
0x17: {  	s4 =	simm.s32 $0x1BF5;
	[smem:$0x3FBB] =	sst s0  }
0x18: {  	s0 =	sld [smem:$0x3F9E];
	_ =	swait.ge [sflag:s4], $0x0  }
0x19: {  	s7 =	sld [smem:$0x3F9F]  }
0x1a: {  	s8 =	sadd.s32 $0xFFFFE003, lr  }
0x1b: {  	s9 =	sadd.s32 $0xFFFFFEF7, lr;
	s5 =	simm.s32 $0xFFFFFFFF;
	p2 =	slt.u32 s8, $0xFFFFF086  }
0x1c: {  	p1 =	slt.u32 s9, $0xF7A;
	s5 =	simm.s32 @!p2 $0x0  }
0x1d: {  	s5 =	simm.s32 @p1 $0x1;
	p0 =	seq.s32 s7, s2  }
0x1e: {  	s7 =	smul.u32 @!p0 $0xF7A, s2;
	p2 =	seq.s32 @!p0 s5, $0x0  }
0x1f: {  	s9 =	smul.u32 $0xF7A, s1;
	s8 =	simm.s32 @!p0 $0x1BF5;
	p2 =	por !p2, p0  }
0x20: {  	[sflag:s8] =	ssyncset.s32 @!p0 $0xFFFFF086;
	s6 =	sadd.s32 @!p0 s3, s7;
	s7 =	simm.s32 @!p0 $0x108  }
0x21: {  	s3 =	sadd.s32 s3, s9;
	s6 =	sadd.s32 @!p0 $0x88, s6;
	s7 =	simm.s32 @p2 $0x1082  }
0x22: {  	[simem:s7], [sflag:s8] =	dma.local @!p0 [hbm:s6], $0xF7A  }
0x23: {  	s9 =	sor.u32 $0xD0000000, s2;
	s6 =	simm.s32 $0x108;
	_ =	swait.ge @!p0 [sflag:s8], $0x0  }
0x24: {  	s3 =	sadd.s32 $0x88, s3;
	s6 =	simm.s32 @!p1 $0x1082;
	[sflag:s4] =	ssyncset.s32 $0xFFFFF086  }
0x25: {  	[simem:s6], [sflag:s4] =	dma.local [hbm:s3], $0xF7A  }
0x26: {  	[smem:$0x3F9F] =	sst s1;
	(tag) =	ssettag s2;
	_ =	strace s9  }
0x27: {  	s1 =	sld [smem:$0x3FAF]  }
0x28: {  	s2 =	sld [smem:$0x3FB0]  }
0x29: {  	s4 =	sld [smem:$0x3FB2]  }
0x2a: {  	p0 =	seq.s32 s5, $0x0;
	s5 =	sld [smem:$0x3FB3]  }
0x2b: {  	s6 =	sld [smem:$0x3FB4]  }
0x2c: {  	s7 =	sld [smem:$0x3FB5]  }
0x2d: {  	s3 =	simm.s32 $0x108;
	s8 =	sld [smem:$0x3FB6]  }
0x2e: {  	s3 =	simm.s32 @!p0 $0x1082;
	s9 =	sld [smem:$0x3FB7]  }
0x2f: {  	lr =	sadd.s32 s0, s3;
	s0 =	sld [smem:$0x3FAE]  }
0x30: {  	s3 =	sld [smem:$0x3FB1]  }
0x31: {  	[smem:$0x3FBA] =	sst s10  }
0x32: {  	s10 =	sld [smem:$0x3FB8];
	_ =	sdelay $0x3  }
0x33: {  	p0 =	seq.s32 s10, $0x1;
	s10 =	sld [smem:$0x3FBA];
	_ =	sdelay $0x3  }
0x34: {  	[smem:$0x3FBA] =	sst s10  }
0x35: {  	s10 =	sld [smem:$0x3FB9];
	_ =	sdelay $0x3  }
0x36: {  	p1 =	seq.s32 s10, $0x1;
	s10 =	sld [smem:$0x3FBA];
	_ =	sdelay $0x3  }
0x37: {  	[smem:$0x3FBA] =	sst s10  }
0x38: {  	s10 =	sld [smem:$0x3FBB]  }
0x39: {  	_ = 	snop;
	(pc) =	sbr.ind lr, $3  }
0x3a: {  	_ = 	snop  }
0x3b: {  	_ = 	snop  }
0x3c: {  	p2 =	seq.s32 s10, $0x1;
	s10 =	sld [smem:$0x3FBA]  }
0x3d: {  	_ =	shalt  }
0x3e: {  	_ =	shalt  }
0x3f: {  	_ =	shalt  }
0x40: {  	_ =	shalt  }
0x41: {  	_ =	shalt  }
0x42: {  	_ =	shalt  }
0x43: {  	_ =	shalt  }
0x44: {  	_ =	shalt  }
0x45: {  	_ =	shalt  }
0x46: {  	_ =	shalt  }
0x47: {  	_ =	shalt  }
0x48: {  	_ =	shalt  }
0x49: {  	_ =	shalt  }
0x4a: {  	_ =	shalt  }
0x4b: {  	_ =	shalt  }
0x4c: {  	_ =	shalt  }
0x4d: {  	_ =	shalt  }
0x4e: {  	_ =	shalt  }
0x4f: {  	_ =	shalt  }
0x50: {  	_ =	shalt  }
0x51: {  	_ =	shalt  }
0x52: {  	_ =	shalt  }
0x53: {  	_ =	shalt  }
0x54: {  	_ =	shalt  }
0x55: {  	_ =	shalt  }
0x56: {  	_ =	shalt  }
0x57: {  	_ =	shalt  }
0x58: {  	_ =	shalt  }
0x59: {  	_ =	shalt  }
0x5a: {  	_ =	shalt  }
0x5b: {  	_ =	shalt  }
0x5c: {  	_ =	shalt  }
0x5d: {  	_ =	shalt  }
0x5e: {  	_ =	shalt  }
0x5f: {  	_ =	shalt  }
0x60: {  	_ =	shalt  }
0x61: {  	_ =	shalt  }
0x62: {  	_ =	shalt  }
0x63: {  	_ =	shalt  }
0x64: {  	_ =	shalt  }
0x65: {  	_ =	shalt  }
0x66: {  	_ =	shalt  }
0x67: {  	_ =	shalt  }
0x68: {  	_ =	shalt  }
0x69: {  	_ =	shalt  }
0x6a: {  	_ =	shalt  }
0x6b: {  	_ =	shalt  }
0x6c: {  	_ =	shalt  }
0x6d: {  	_ =	shalt  }
0x6e: {  	_ =	shalt  }
0x6f: {  	_ =	shalt  }
0x70: {  	_ =	shalt  }
0x71: {  	_ =	shalt  }
0x72: {  	_ =	shalt  }
0x73: {  	_ =	shalt  }
0x74: {  	_ =	shalt  }
0x75: {  	_ =	shalt  }
0x76: {  	_ =	shalt  }
0x77: {  	_ =	shalt  }
0x78: {  	_ =	shalt  }
0x79: {  	_ =	shalt  }
0x7a: {  	_ =	shalt  }
0x7b: {  	_ =	shalt  }
0x7c: {  	_ =	shalt  }
0x7d: {  	_ =	shalt  }
0x7e: {  	_ =	shalt  }
0x7f: {  	_ =	shalt  }
0x80: {  	_ =	shalt  }
0x81: {  	_ =	shalt  }
0x82: {  	_ =	shalt  }
0x83: {  	_ =	shalt  }
0x84: {  	_ =	shalt  }
0x85: {  	_ =	shalt  }
0x86: {  	_ =	shalt  }
0x87: {  	_ =	shalt  }
.Lfunc_end0:
.L_simem_size_0:
called_computation_lowered:
.L_overlay_start_0:
0x88: {  	s2 =	sld [smem:$0x3FD9]  }
0x89: {  	s3 =	sld [smem:$0x3FFE];
	_ =	sdelay $0x1  }
0x8a: {  	s1 =	srdreg.scid  }
0x8b: {  	s0 =	sand.u32 $0x1, s1  }
0x8c: {  	s17 =	sshll.u32 s0, $0xA;
	s2 =	sadd.s32 s3, s2  }
0x8d: {  	s2 =	sadd.s32 s2, s17  }
0x8e: {  	[smem:$0x3FC6] =	sst s2  }
0x8f: {  	_ = 	snop  }
0x90: {  	s2 =	sld [smem:$0x3FC9]  }
0x91: {  	s18 =	sld [smem:$0x3FD0];
	(tm) =	ssettm $0x1  }
0x92: {  	s4 =	sld [smem:$0x3FFB];
	_ =	sdelay $0x3  }
0x93: {  	_ =	strace s4  }
0x94: {  	s4 =	sld [smem:$0x3FFC];
	_ =	sdelay $0x3  }
0x95: {  	_ =	strace s4  }
0x96: {  	s4 =	sld [smem:$0x3FFD];
	_ =	sdelay $0x3  }
0x97: {  	_ =	strace s4  }
0x98: {  	_ =	strace $0x8FFFFFFF  }
0x99: {  	s19 =	sld [smem:$0x3FDB];
	_ =	sdelay $0x1  }
0x9a: {  	s5 =	simm.s32 $_scs_section_size  }
0x9b: {  	s6 =	simm.s32 $_size__tile_overlayer_lowered;
	s7 =	simm.s32 $_tile_overlayer_lowered  }
0x9c: {  	s22 =	simm.s32 $0x1BFF;
	s21 =	sshll.u32 s7, $0x1;
	s4 =	sadd.s32 s5, s19  }
0x9d: {  	s8 =	simm.s32 $0x0;
	s20 =	sshll.u32 s6, $0x1;
	s6 =	sadd.s32 s21, s4  }
0x9e: {  	[timem:s8], [sflag:s22] =	dma.local [hbm:s6], s20  }
0x9f: {  	_ =	swait.ge [sflag:s22], s20  }
0xa0: {  	s5 =	ssub.s32 $0x0, s20;
	[sflag:s22] =	ssyncset.done $0x0  }
0xa1: {  	[sflag:s22] =	ssyncadd.s32 s5;
	_ =	sdelay $0x1  }
0xa2: {  	s23 =	simm.s32 $0x1B8B  }
0xa3: {  	_ =	swait.ge [sflag:s23], $0x1  }
0xa4: {  	[sflag:s23] =	ssyncset.done $0x0  }
0xa5: {  	s25 =	simm.s32 $0x1B8E;
	s24 =	sld [smem:$0x3FFE];
	[sflag:s23] =	ssyncadd.s32 $0xFFFFFFFF  }
0xa6: {  	s26 =	simm.s32 $execute0_lowered;
	[smem:$0x3FD2] =	sst s25  }
0xa7: {  	s6 =	sshll.u32 s26, $0x1;
	_ =	strace $0x80000046;
	[dreg:$0x1] =	wrdreg $0xFFFFFFFF  }
0xa8: {  	s28 =	simm.s32 $_size_execute0_lowered;
	s4 =	sadd.s32 s4, s6;
	[dreg:$0x0] =	wrdreg $0x0  }
0xa9: {  	s6 =	sshll.u32 s28, $0x1;
	[dreg:$0x2] =	wrdreg s4  }
0xaa: {  	[dreg:$0x3] =	wrdreg s6  }
0xab: {  	[dreg:$0x4] =	wrdreg $0xC0  }
0xac: {  	_ =	task [dreg:s8], $0x5FFFF  }
0xad: {  	[dreg:$0x1] =	wrdreg $0xFFFFFFFF  }
0xae: {  	[dreg:$0x0] =	wrdreg $0x60  }
0xaf: {  	[dreg:$0x2] =	wrdreg s24  }
0xb0: {  	[dreg:$0x3] =	wrdreg s2  }
0xb1: {  	[dreg:$0x4] =	wrdreg s18  }
0xb2: {  	[dreg:$0x5] =	wrdreg $0x9  }
0xb3: {  	_ =	task.clear_ibuf [dreg:s8], $0x6FFFF;
	_ =	strace $0x90000046  }
0xb4: {  	s29 =	simm.s32 $0x9;
	_ =	strace $0x80000048  }
0xb5: {  	_ =	swait.ge [sflag:s29], $0x1  }
0xb6: {  	[sflag:s29] =	ssyncadd.s32 $0xFFFFFFFF  }
0xb7: {  	_ =	strace $0x90000048  }
0xb8: {  	_ =	sfence  }
0xb9: {  	s30 =	sld [smem:$0x0];
	_ =	sdelay $0x2  }
0xba: {  	s31 =	sshll.u32 s1, $0xD;
	s1 =	sshrl.u32 s1, $0x2  }
0xbb: {  	s3 =	sand.u32 $0x4000, s31;
	s1 =	sadd.s32 s1, s30  }
0xbc: {  	s0 =	sor.u32 s3, s0;
	s1 =	sshll.u32 s1, $0x11  }
0xbd: {  	s0 =	sor.u32 s1, s0  }
0xbe: {  	s0 =	sadd.s32 $0x8F2B, s0  }
0xbf: {  	[sflag:s0] =	ssyncadd.remote.s32 $0x1  }
0xc0: {  	_ =	sfence.sel $0xFFFF  }
0xc1: {  	[dreg:$0x0] =	wrdreg $0xFFFFFFFF;
	(pc) =	sbr.abs _section_cstart, $3  }
0xc2: {  	[dreg:$0x1] =	wrdreg $0xFFFFFFFF  }
0xc3: {  	_ =	task.clear_ibuf [dreg:s8], $0x2FFFF;
	_ =	strace $0x9FFFFFFF  }
0xc4: {  	(tm) =	ssettm $0x7FFFFFFF  }
0xc5: {  	_ =	shalt  }
tec
execute0_lowered:
.L_overlay_start_1:
0x0: {  	(tag) =	ssettag $0x1  }
0x1: {  	s0 =	rddreg [dreg:$0x0]  }
0x2: {  	s2 =	rddreg [dreg:$0x1]  }
0x3: {  	s1 =	rddreg [dreg:$0x2];
	s3 =	srdreg.scid  }
0x4: {  	s13 =	stileid.u32;
	s23 =	simm.s32 $0x0;
	s15 =	simm.s32 $0x2  }
0x5: {  	s24 =	simm.s32 $0x40;
	s29 =	simm.s32 $0x3280;
	s30 =	simm.s32 $0x3480  }
0x6: {  	s31 =	simm.s32 $0x3680;
	s16 =	simm.s32 $0x3C80;
	s17 =	simm.s32 $0x3E80  }
0x7: {  	s18 =	simm.s32 $0x1;
	s19 =	simm.s32 $0x0;
	s12 =	sand.u32 $0x1, s3  }
0x8: {  	v6 =	vlaneseq.u32;
	s4 =	sshll.u32 s13, $0x1;
	[smem:$0x7FF] =	sst s23;
	s25 =	sadd.s32 $0x1000, s2  }
0x9: {  	v5 =	vimm.s32 $0x1;
	vm0 =	vcmask $0x704;
	vm1 =	vmmov $0x7;
	s8 =	sadd.s32 $0x3000, s2;
	s9 =	sadd.s32 $0x4000, s2;
	s10 =	sadd.s32 $0x5000, s2  }
0xa: {  	vm2 =	vmmov $0xf;
	vm3 =	vmmov $0x1f;
	vm4 =	vmmov $0x3f;
	s11 =	sadd.s32 $0x6000, s2;
	s13 =	sshll.u32 s13, $0x7;
	s4 =	sor.u32 s12, s4  }
0xb: {  	vm5 =	vmmov $0x7f;
	vm6 =	vmmov $0xff;
	vm7 =	vmmov $0x1ff;
	s5 =	ssub.s32 $0x2, s12;
	_ =	strace $0x80000047;
	[dreg:$0x4] =	wrdreg s25  }
0xc: {  	vm8 =	vmmov $0x3ff;
	vm9 =	vmmov $0x7ff;
	v2 =	vmul.u32 $0x2, v6;
	s26 =	sshll.u32 s12, $0x3;
	s12 =	sadd.s32 $0x7000, s2;
	s25 =	simm.s32 $0x80  }
.Ltmp0:
0xd: {  	vm10 =	vmmov $0xfff;
	vm11 =	vmmov $0x1fff;
	vm12 =	vmmov $0x3fff;
	s6 =	sshll.u32 s4, $0x7;
	s7 =	sshrl.u32 s5, $0x1;
	(pc) =	sbr.rel .LBB2_1-.Ltmp0, $4  }
0xe: {  	vm13 =	vmmov $0x7fff;
	v6 =	vand.u32 $0x7, v6;
	s4 =	sshll.u32 s4, $0xA;
	v1 =	vor.u32 $0x20, v2;
	s0 =	sadd.s32 s6, s0;
	s14 =	ssub.s32 s5, s7  }
0xf: {  	v3 =	vor.u32 $0x40, v2;
	v4 =	vor.u32 $0x60, v2;
	s7 =	sadd.s32 $0x2000, s2;
	v0 =	vor.u32 s4, v2;
	s5 =	sadd.s32 $0x600, s0;
	s0 =	sadd.s32 s1, s26  }
0x10: {  	v2 =	vor.u32 s4, v3;
	v3 =	vor.u32 s4, v4;
	v4 =	vimm.s32 $0x40000;
	s14 =	smax.u32 s14, $0x1;
	s26 =	simm.s32 $0x3080;
	s13 =	sadd.s32 s13, s0  }
0x11: {  	v6 =	vmul.u32 $0x2, v6;
	v1 =	vor.u32 s4, v1;
	v4 =	vunpack.c.0.s8.s32 v4;
	s1 =	simm.s32 $0x3A80;
	s0 =	simm.s32 $0x3880;
	s28 =	sadd.s32 $0x800, s13  }
.LBB2_8:
0x12: {  	[sflag:s18] =	ssyncadd.s32 $0xFFFFFFC0  }
.LBB2_11:
0x13: {  	[hbm4b:s13+s24] =	stream.strided.scatter [tilespmem:s26], [sflag:$0x2], $0x200, s25, s24, $0x38;
	[tilespmem:$0x4080] =	vst v63  }
0x14: {  	_ = 	snop  }
0x15: {  	[hbm4b:s28+s24] =	stream.strided.scatter [tilespmem:s29], [sflag:$0x2], $0x200, s25, s24, $0x38;
	[tilespmem:$0x4080] =	vst v63  }
0x16: {  	s3 =	sadd.s32 $0x1000, s13  }
0x17: {  	[hbm4b:s3+s24] =	stream.strided.scatter [tilespmem:s30], [sflag:$0x2], $0x200, s25, s24, $0x38;
	[tilespmem:$0x4080] =	vst v63  }
0x18: {  	s22 =	sadd.s32 $0x1800, s13  }
0x19: {  	[hbm4b:s22+s24] =	stream.strided.scatter [tilespmem:s31], [sflag:$0x2], $0x200, s25, s24, $0x38;
	[tilespmem:$0x4080] =	vst v63  }
0x1a: {  	s6 =	sadd.s32 $0x2000, s13  }
0x1b: {  	[hbm4b:s6+s24] =	stream.strided.scatter [tilespmem:s0], [sflag:$0x2], $0x200, s25, s24, $0x38;
	[tilespmem:$0x4080] =	vst v63  }
0x1c: {  	s20 =	sadd.s32 $0x2800, s13;
	s19 =	sadd.s32 $0x1, s19  }
0x1d: {  	[hbm4b:s20+s24] =	stream.strided.scatter [tilespmem:s1], [sflag:$0x2], $0x200, s25, s24, $0x38;
	[tilespmem:$0x4080] =	vst v63  }
0x1e: {  	s21 =	sadd.s32 $0x3000, s13;
	p0 =	sne.s32 s19, s14  }
0x1f: {  	[hbm4b:s21+s24] =	stream.strided.scatter [tilespmem:s16], [sflag:$0x2], $0x200, s25, s24, $0x38;
	[tilespmem:$0x4080] =	vst v63  }
.Ltmp1:
0x20: {  	s22 =	sadd.s32 $0x3800, s13;
	(pc) =	sbr.rel @!p0 .LBB2_12-.Ltmp1, $4  }
0x21: {  	[hbm4b:s22+s24] =	stream.strided.scatter [tilespmem:s17], [sflag:$0x2], $0x200, s25, s24, $0x38;
	[tilespmem:$0x4080] =	vst v63  }
0x22: {  	_ =	swait.ge [sflag:s15], $0x1000  }
0x23: {  	[sflag:s15] =	ssyncset.done $0x0  }
0x24: {  	[sflag:s15] =	ssyncadd.s32 $0xFFFFF000  }
.LBB2_1:
0x25: {  	[tilespmem:s23], [sflag:$0x2] =	stream.linear.gather [hbm4b:s5+s23], $0x80, $0x38;
	[tilespmem:$0x4080] =	vst v63  }
0x26: {  	_ =	swait.ge [sflag:s15], $0x80  }
0x27: {  	[sflag:s15] =	ssyncset.done $0x0  }
0x28: {  	[sflag:s15] =	ssyncadd.s32 $0xFFFFFF80  }
0x29: {  	v7 =	vld [tilespmem:$0x0];
	_ =	sdelay $0x4  }
0x2a: {  	v8 =	vbroadcast v7, $0x2;
	_ =	sdelay $0x1  }
0x2b: {  	v9 =	vperm.xlane v7, v4;
	v8 =	vperm.xlane v8, v5  }
0x2c: {  	v10 =	vld [tilespmem:$0x10];
	v11 =	vbroadcast v7, $0x6  }
0x2d: {  	v8 =	vsel vm0, v8, v9;
	v9 =	vbroadcast v7, $0x8  }
0x2e: {  	v12 =	vld [tilespmem:$0x20];
	v8 =	vsel vm1, v8, v11;
	v11 =	vbroadcast v7, $0xA  }
0x2f: {  	v8 =	vsel vm2, v8, v9;
	v9 =	vbroadcast v7, $0xC  }
0x30: {  	v7 =	vbroadcast v7, $0xE;
	v8 =	vsel vm3, v8, v11  }
0x31: {  	v8 =	vsel vm4, v8, v9;
	v9 =	vbroadcast v10, $0x0  }
0x32: {  	v7 =	vsel vm5, v8, v7;
	v8 =	vbroadcast v10, $0x2  }
0x33: {  	v11 =	vbroadcast v12, $0x2;
	v7 =	vsel vm6, v7, v9;
	v9 =	vbroadcast v10, $0x4  }
0x34: {  	v34 =	vld [tilespmem:$0x40];
	v7 =	vsel vm7, v7, v8;
	v8 =	vbroadcast v10, $0x6  }
0x35: {  	v11 =	vperm.xlane v11, v5;
	v7 =	vsel vm8, v7, v9;
	v9 =	vperm.xlane v12, v4  }
0x36: {  	v14 =	vld [tilespmem:$0x30];
	v13 =	vbroadcast v10, $0x8;
	v7 =	vsel vm9, v7, v8;
	v8 =	vbroadcast v12, $0x6  }
0x37: {  	v15 =	vbroadcast v10, $0xA;
	v9 =	vsel vm0, v11, v9;
	v11 =	vbroadcast v12, $0x8  }
0x38: {  	v16 =	vbroadcast v10, $0xC;
	v8 =	vsel vm1, v9, v8;
	v9 =	vbroadcast v12, $0xA  }
0x39: {  	v35 =	vbroadcast v34, $0x2;
	v8 =	vsel vm2, v8, v11;
	v11 =	vbroadcast v12, $0xC  }
0x3a: {  	v37 =	vbroadcast v34, $0x6;
	v8 =	vsel vm3, v8, v9;
	v9 =	vbroadcast v12, $0xE  }
0x3b: {  	v10 =	vbroadcast v10, $0xE;
	v8 =	vsel vm4, v8, v11;
	v11 =	vbroadcast v14, $0x0  }
0x3c: {  	v7 =	vsel vm10, v7, v13;
	v8 =	vsel vm5, v8, v9;
	v9 =	vbroadcast v14, $0x2  }
0x3d: {  	v7 =	vsel vm11, v7, v15;
	v8 =	vsel vm6, v8, v11;
	v11 =	vbroadcast v14, $0x4  }
0x3e: {  	v7 =	vsel vm12, v7, v16;
	v8 =	vsel vm7, v8, v9;
	v9 =	vbroadcast v14, $0x6  }
0x3f: {  	v36 =	vld [tilespmem:$0x60];
	v12 =	vperm.xlane v35, v5;
	v8 =	vsel vm8, v8, v11;
	v11 =	vperm.xlane v34, v4  }
0x40: {  	v7 =	vsel vm13, v7, v10;
	v10 =	vld [tilespmem:$0x50];
	v8 =	vsel vm9, v8, v9;
	v9 =	vbroadcast v14, $0x8  }
0x41: {  	v17 =	vbroadcast v14, $0xA;
	v38 =	vbroadcast v34, $0x8;
	v11 =	vsel vm0, v12, v11  }
0x42: {  	v8 =	vsel vm10, v8, v9;
	v9 =	vsel vm1, v11, v37;
	v11 =	vbroadcast v34, $0xA  }
0x43: {  	v39 =	vbroadcast v34, $0xC;
	v40 =	vbroadcast v14, $0xC;
	v9 =	vsel vm2, v9, v38  }
0x44: {  	v42 =	vbroadcast v36, $0x2;
	v9 =	vsel vm3, v9, v11;
	v11 =	vbroadcast v34, $0xE  }
0x45: {  	v44 =	vld [tilespmem:$0x70];
	v43 =	vperm.xlane v36, v4;
	v41 =	vbroadcast v10, $0x0;
	v9 =	vsel vm4, v9, v39  }
0x46: {  	v45 =	vbroadcast v36, $0x6;
	v9 =	vsel vm5, v9, v11;
	v11 =	vbroadcast v10, $0x2  }
0x47: {  	v46 =	vbroadcast v36, $0x8;
	v13 =	vperm.xlane v42, v5;
	v9 =	vsel vm6, v9, v41  }
0x48: {  	v47 =	vbroadcast v36, $0xA;
	v9 =	vsel vm7, v9, v11;
	v11 =	vbroadcast v10, $0x4  }
0x49: {  	v48 =	vbroadcast v36, $0xC;
	v49 =	vbroadcast v36, $0xE;
	v12 =	vsel vm0, v13, v43  }
0x4a: {  	v51 =	vbroadcast v44, $0x0;
	v9 =	vsel vm8, v9, v11;
	v11 =	vsel vm1, v12, v45  }
0x4b: {  	v52 =	vbroadcast v44, $0x2;
	v53 =	vbroadcast v44, $0x4;
	v11 =	vsel vm2, v11, v46  }
0x4c: {  	v55 =	vbroadcast v44, $0x6;
	v56 =	vbroadcast v44, $0x8;
	v11 =	vsel vm3, v11, v47  }
0x4d: {  	v57 =	vbroadcast v44, $0xA;
	v59 =	vbroadcast v44, $0xC;
	v11 =	vsel vm4, v11, v48  }
0x4e: {  	v60 =	vbroadcast v44, $0xE;
	vm14 =	vgt.s32 v7, $0x1;
	v11 =	vsel vm5, v11, v49  }
0x4f: {  	v7 =	vnsel vm14, $0x1, v7;
	v18 =	vbroadcast v10, $0x6;
	v11 =	vsel vm6, v11, v51  }
0x50: {  	v50 =	vbroadcast v10, $0x8;
	v54 =	vbroadcast v10, $0xA;
	v11 =	vsel vm7, v11, v52  }
0x51: {  	v58 =	vbroadcast v10, $0xC;
	v14 =	vbroadcast v14, $0xE;
	v11 =	vsel vm8, v11, v53  }
0x52: {  	v8 =	vsel vm11, v8, v17;
	v9 =	vsel vm9, v9, v18;
	v11 =	vsel vm9, v11, v55  }
0x53: {  	v8 =	vsel vm12, v8, v40;
	v9 =	vsel vm10, v9, v50;
	v11 =	vsel vm10, v11, v56  }
0x54: {  	v10 =	vbroadcast v10, $0xE;
	v9 =	vsel vm11, v9, v54;
	v11 =	vsel vm11, v11, v57  }
0x55: {  	v8 =	vsel vm13, v8, v14;
	v9 =	vsel vm12, v9, v58;
	v11 =	vsel vm12, v11, v59  }
0x56: {  	vm14 =	vgt.s32 v8, $0x1;
	v9 =	vsel vm13, v9, v10;
	v10 =	vsel vm13, v11, v60  }
0x57: {  	v8 =	vnsel vm14, $0x1, v8;
	vm14 =	vgt.s32 v9, $0x1;
	vm15 =	vgt.s32 v10, $0x1  }
0x58: {  	v7 =	vadd.s32 $0xFFFFFFFF, v7;
	v9 =	vnsel vm14, $0x1, v9;
	v10 =	vnsel vm15, $0x1, v10  }
0x59: {  	v8 =	vadd.s32 $0xFFFFFFFF, v8;
	v9 =	vadd.s32 $0xFFFFFFFF, v9;
	v10 =	vadd.s32 $0xFFFFFFFF, v10  }
0x5a: {  	v11 =	vmin.u32 v7, v8;
	v61 =	vmin.u32 v9, v10  }
0x5b: {  	v62 =	vmax.u32 v7, v8;
	v63 =	vmax.u32 v9, v10;
	v11 =	vmin.u32 v11, v61  }
0x5c: {  	v12 =	vmax.u32 v62, v63;
	v11 =	vxor.u32 $0x80000000, v11  }
0x5d: {  	(xrf0) =	vmin.scan.msk.u32 $0xffff, v11;
	v11 =	vxor.u32 $0x80000000, v12  }
0x5e: {  	(xrf0) =	vmax.scan.msk.u32 $0xffff, v11;
	_ =	sdelay $0x4  }
0x5f: {  	v11, _, _ =	vpop (xrf0)  }
0x60: {  	(v2sf) =	vpush v11, $0xF;
	v11, _, _ =	vpop (xrf0)  }
0x61: {  	(v2sf) =	vpush v11, $0xF;
	_ =	sdelay $0xd  }
0x62: {  	s20 =	spop (v2sf)  }
0x63: {  	s21 =	spop (v2sf)  }
0x64: {  	p0 =	seq.s32 s20, s21  }
.Ltmp2:
0x65: {  	_ = 	snop;
	(pc) =	sbr.rel @!p0 .LBB2_2-.Ltmp2, $1  }
0x66: {  	_ =	sdelay $0x3  }
0x67: {  	s20 =	sshll.u32 s20, $0x12  }
0x68: {  	s20 =	sor.u32 s4, s20  }
0x69: {  	s21 =	sshrl.u32 s20, $0x3  }
0x6a: {  	s3 =	simm.s32 $0x1080;
	s20 =	simm.s32 $0x0;
	s22 =	sadd.s32 s2, s21  }
0x6b: {  	[tilespmem:s3], [sflag:$0x2] =	stream.linear.gather [hbm4b:s22+s20], $0x400, $0x38;
	[tilespmem:$0x4080] =	vst v63  }
0x6c: {  	_ =	swait.ge [sflag:s15], $0x400  }
0x6d: {  	[sflag:s15] =	ssyncset.done $0x0;
	s22 =	rddreg [dreg:$0x4]  }
0x6e: {  	s6 =	simm.s32 $0x1480;
	[sflag:s15] =	ssyncadd.s32 $0xFFFFFC00;
	s3 =	sadd.s32 s21, s22  }
0x6f: {  	[tilespmem:s6], [sflag:$0x2] =	stream.linear.gather [hbm4b:s3+s20], $0x400, $0x38;
	[tilespmem:$0x4080] =	vst v63  }
0x70: {  	_ =	swait.ge [sflag:s15], $0x400  }
0x71: {  	[sflag:s15] =	ssyncset.done $0x0  }
0x72: {  	s3 =	sadd.s32 s21, s7;
	s6 =	simm.s32 $0x1880;
	[sflag:s15] =	ssyncadd.s32 $0xFFFFFC00  }
0x73: {  	[tilespmem:s6], [sflag:$0x2] =	stream.linear.gather [hbm4b:s3+s20], $0x400, $0x38;
	[tilespmem:$0x4080] =	vst v63  }
0x74: {  	_ =	swait.ge [sflag:s15], $0x400  }
0x75: {  	[sflag:s15] =	ssyncset.done $0x0  }
0x76: {  	s3 =	sadd.s32 s21, s8;
	s6 =	simm.s32 $0x1C80;
	[sflag:s15] =	ssyncadd.s32 $0xFFFFFC00  }
0x77: {  	[tilespmem:s6], [sflag:$0x2] =	stream.linear.gather [hbm4b:s3+s20], $0x400, $0x38;
	[tilespmem:$0x4080] =	vst v63  }
0x78: {  	_ =	swait.ge [sflag:s15], $0x400  }
0x79: {  	[sflag:s15] =	ssyncset.done $0x0  }
0x7a: {  	s3 =	sadd.s32 s21, s9;
	s6 =	simm.s32 $0x2080;
	[sflag:s15] =	ssyncadd.s32 $0xFFFFFC00  }
0x7b: {  	[tilespmem:s6], [sflag:$0x2] =	stream.linear.gather [hbm4b:s3+s20], $0x400, $0x38;
	[tilespmem:$0x4080] =	vst v63  }
0x7c: {  	_ =	swait.ge [sflag:s15], $0x400  }
0x7d: {  	[sflag:s15] =	ssyncset.done $0x0  }
0x7e: {  	s3 =	sadd.s32 s21, s10;
	s6 =	simm.s32 $0x2480;
	[sflag:s15] =	ssyncadd.s32 $0xFFFFFC00  }
0x7f: {  	[tilespmem:s6], [sflag:$0x2] =	stream.linear.gather [hbm4b:s3+s20], $0x400, $0x38;
	[tilespmem:$0x4080] =	vst v63  }
0x80: {  	_ =	swait.ge [sflag:s15], $0x400  }
0x81: {  	[sflag:s15] =	ssyncset.done $0x0  }
0x82: {  	s3 =	sadd.s32 s21, s11;
	s6 =	simm.s32 $0x2880;
	[sflag:s15] =	ssyncadd.s32 $0xFFFFFC00  }
0x83: {  	[tilespmem:s6], [sflag:$0x2] =	stream.linear.gather [hbm4b:s3+s20], $0x400, $0x38;
	[tilespmem:$0x4080] =	vst v63  }
0x84: {  	_ =	swait.ge [sflag:s15], $0x400  }
0x85: {  	[sflag:s15] =	ssyncset.done $0x0  }
0x86: {  	s22 =	simm.s32 $0x2C80;
	s21 =	sadd.s32 s21, s12;
	[sflag:s15] =	ssyncadd.s32 $0xFFFFFC00  }
0x87: {  	[tilespmem:s22], [sflag:$0x2] =	stream.linear.gather [hbm4b:s21+s20], $0x400, $0x38;
	[tilespmem:$0x4080] =	vst v63  }
0x88: {  	_ =	swait.ge [sflag:s15], $0x400  }
0x89: {  	[sflag:s15] =	ssyncset.done $0x0  }
0x8a: {  	s21 =	simm.s32 $0x1280;
	[sflag:s15] =	ssyncadd.s32 $0xFFFFFC00  }
.LBB2_10:
0x8b: {  	v7 =	vld [tilespmem:s21+$0xFFFFFE00]  }
0x8c: {  	v8 =	vld [tilespmem:s21+$0xFFFFFE10]  }
0x8d: {  	v9 =	vld [tilespmem:s21+$0xFFFFFE20]  }
0x8e: {  	v10 =	vld [tilespmem:s21+$0xFFFFFE30]  }
0x8f: {  	v11 =	vld [tilespmem:s21+$0xFFFFFE40]  }
0x90: {  	v12 =	vld [tilespmem:s21+$0xFFFFFE50]  }
0x91: {  	v13 =	vld [tilespmem:s21+$0xFFFFFE60]  }
0x92: {  	v14 =	vld [tilespmem:s21+$0xFFFFFE70];
	_ =	sdelay $0x1  }
0x93: {  	v7 =	vperm.xlane v7, v6;
	v8 =	vperm.xlane v8, v6  }
0x94: {  	v9 =	vperm.xlane v9, v6;
	v10 =	vperm.xlane v10, v6  }
0x95: {  	s22 =	sshra.s32 s20, $0x2;
	v46 =	vperm.xlane v12, v6;
	v7 =	vsel vm6, v7, v8;
	v8 =	vperm.xlane v11, v6  }
0x96: {  	v47 =	vperm.xlane v13, v6;
	v48 =	vperm.xlane v14, v6;
	[tilespmem:s22+$0x3080] =	vst v7;
	v7 =	vsel vm6, v9, v10  }
0x97: {  	[tilespmem:s22+$0x3090] =	vst v7;
	v7 =	vsel vm6, v8, v46  }
0x98: {  	[tilespmem:s22+$0x30A0] =	vst v7;
	v7 =	vsel vm6, v47, v48  }
0x99: {  	[tilespmem:s22+$0x30B0] =	vst v7  }
0x9a: {  	v7 =	vld [tilespmem:s21+$0xFFFFFE80]  }
0x9b: {  	v8 =	vld [tilespmem:s21+$0xFFFFFE90]  }
0x9c: {  	v49 =	vld [tilespmem:s21+$0xFFFFFEA0]  }
0x9d: {  	v50 =	vld [tilespmem:s21+$0xFFFFFEB0]  }
0x9e: {  	v51 =	vld [tilespmem:s21+$0xFFFFFEC0]  }
0x9f: {  	v52 =	vld [tilespmem:s21+$0xFFFFFED0]  }
0xa0: {  	v53 =	vld [tilespmem:s21+$0xFFFFFEE0]  }
0xa1: {  	v54 =	vld [tilespmem:s21+$0xFFFFFEF0];
	_ =	sdelay $0x1  }
0xa2: {  	v7 =	vperm.xlane v7, v6;
	v8 =	vperm.xlane v8, v6  }
0xa3: {  	v9 =	vperm.xlane v49, v6;
	v10 =	vperm.xlane v50, v6  }
0xa4: {  	v55 =	vperm.xlane v52, v6;
	v7 =	vsel vm6, v7, v8;
	v8 =	vperm.xlane v51, v6  }
0xa5: {  	v56 =	vperm.xlane v53, v6;
	v57 =	vperm.xlane v54, v6;
	[tilespmem:s22+$0x30C0] =	vst v7;
	v7 =	vsel vm6, v9, v10  }
0xa6: {  	[tilespmem:s22+$0x30D0] =	vst v7;
	v7 =	vsel vm6, v8, v55  }
0xa7: {  	[tilespmem:s22+$0x30E0] =	vst v7;
	v7 =	vsel vm6, v56, v57  }
0xa8: {  	[tilespmem:s22+$0x30F0] =	vst v7  }
0xa9: {  	v7 =	vld [tilespmem:s21+$0xFFFFFF00]  }
0xaa: {  	v8 =	vld [tilespmem:s21+$0xFFFFFF10]  }
0xab: {  	v58 =	vld [tilespmem:s21+$0xFFFFFF20]  }
0xac: {  	v59 =	vld [tilespmem:s21+$0xFFFFFF30]  }
0xad: {  	v60 =	vld [tilespmem:s21+$0xFFFFFF40]  }
0xae: {  	v61 =	vld [tilespmem:s21+$0xFFFFFF50]  }
0xaf: {  	v62 =	vld [tilespmem:s21+$0xFFFFFF60]  }
0xb0: {  	v63 =	vld [tilespmem:s21+$0xFFFFFF70];
	_ =	sdelay $0x1  }
0xb1: {  	v7 =	vperm.xlane v7, v6;
	v8 =	vperm.xlane v8, v6  }
0xb2: {  	v9 =	vperm.xlane v58, v6;
	v10 =	vperm.xlane v59, v6  }
0xb3: {  	v16 =	vperm.xlane v61, v6;
	v7 =	vsel vm6, v7, v8;
	v8 =	vperm.xlane v60, v6  }
0xb4: {  	v17 =	vperm.xlane v62, v6;
	v18 =	vperm.xlane v63, v6;
	[tilespmem:s22+$0x3100] =	vst v7;
	v7 =	vsel vm6, v9, v10  }
0xb5: {  	[tilespmem:s22+$0x3110] =	vst v7;
	v7 =	vsel vm6, v8, v16  }
0xb6: {  	[tilespmem:s22+$0x3120] =	vst v7;
	v7 =	vsel vm6, v17, v18  }
0xb7: {  	[tilespmem:s22+$0x3130] =	vst v7  }
0xb8: {  	v7 =	vld [tilespmem:s21+$0xFFFFFF80]  }
0xb9: {  	v8 =	vld [tilespmem:s21+$0xFFFFFF90]  }
0xba: {  	v19 =	vld [tilespmem:s21+$0xFFFFFFA0]  }
0xbb: {  	v20 =	vld [tilespmem:s21+$0xFFFFFFB0]  }
0xbc: {  	v21 =	vld [tilespmem:s21+$0xFFFFFFC0]  }
0xbd: {  	v22 =	vld [tilespmem:s21+$0xFFFFFFD0]  }
0xbe: {  	v23 =	vld [tilespmem:s21+$0xFFFFFFE0]  }
0xbf: {  	v24 =	vld [tilespmem:s21+$0xFFFFFFF0];
	_ =	sdelay $0x1  }
0xc0: {  	v7 =	vperm.xlane v7, v6;
	v8 =	vperm.xlane v8, v6  }
0xc1: {  	v9 =	vperm.xlane v19, v6;
	v10 =	vperm.xlane v20, v6  }
0xc2: {  	v25 =	vperm.xlane v22, v6;
	v7 =	vsel vm6, v7, v8;
	v8 =	vperm.xlane v21, v6  }
0xc3: {  	v26 =	vperm.xlane v23, v6;
	v27 =	vperm.xlane v24, v6;
	[tilespmem:s22+$0x3140] =	vst v7;
	v7 =	vsel vm6, v9, v10  }
0xc4: {  	[tilespmem:s22+$0x3150] =	vst v7;
	v7 =	vsel vm6, v8, v25  }
0xc5: {  	[tilespmem:s22+$0x3160] =	vst v7;
	v7 =	vsel vm6, v26, v27  }
0xc6: {  	[tilespmem:s22+$0x3170] =	vst v7  }
0xc7: {  	v7 =	vld [tilespmem:s21+$0x0]  }
0xc8: {  	v8 =	vld [tilespmem:s21+$0x10]  }
0xc9: {  	v28 =	vld [tilespmem:s21+$0x20]  }
0xca: {  	v29 =	vld [tilespmem:s21+$0x30]  }
0xcb: {  	v30 =	vld [tilespmem:s21+$0x40]  }
0xcc: {  	v31 =	vld [tilespmem:s21+$0x50]  }
0xcd: {  	v32 =	vld [tilespmem:s21+$0x60]  }
0xce: {  	v33 =	vld [tilespmem:s21+$0x70];
	_ =	sdelay $0x1  }
0xcf: {  	v7 =	vperm.xlane v7, v6;
	v8 =	vperm.xlane v8, v6  }
0xd0: {  	v9 =	vperm.xlane v28, v6;
	v10 =	vperm.xlane v29, v6  }
0xd1: {  	v34 =	vperm.xlane v31, v6;
	v7 =	vsel vm6, v7, v8;
	v8 =	vperm.xlane v30, v6  }
0xd2: {  	v35 =	vperm.xlane v32, v6;
	v36 =	vperm.xlane v33, v6;
	[tilespmem:s22+$0x3180] =	vst v7;
	v7 =	vsel vm6, v9, v10  }
0xd3: {  	[tilespmem:s22+$0x3190] =	vst v7;
	v7 =	vsel vm6, v8, v34  }
0xd4: {  	[tilespmem:s22+$0x31A0] =	vst v7;
	v7 =	vsel vm6, v35, v36  }
0xd5: {  	[tilespmem:s22+$0x31B0] =	vst v7  }
0xd6: {  	v7 =	vld [tilespmem:s21+$0x80]  }
0xd7: {  	v8 =	vld [tilespmem:s21+$0x90]  }
0xd8: {  	v37 =	vld [tilespmem:s21+$0xA0]  }
0xd9: {  	v38 =	vld [tilespmem:s21+$0xB0]  }
0xda: {  	v39 =	vld [tilespmem:s21+$0xC0]  }
0xdb: {  	v40 =	vld [tilespmem:s21+$0xD0]  }
0xdc: {  	v41 =	vld [tilespmem:s21+$0xE0]  }
0xdd: {  	v42 =	vld [tilespmem:s21+$0xF0];
	_ =	sdelay $0x1  }
0xde: {  	v7 =	vperm.xlane v7, v6;
	v8 =	vperm.xlane v8, v6  }
0xdf: {  	v9 =	vperm.xlane v37, v6;
	v10 =	vperm.xlane v38, v6  }
0xe0: {  	v43 =	vperm.xlane v40, v6;
	v7 =	vsel vm6, v7, v8;
	v8 =	vperm.xlane v39, v6  }
0xe1: {  	v44 =	vperm.xlane v41, v6;
	v45 =	vperm.xlane v42, v6;
	[tilespmem:s22+$0x31C0] =	vst v7;
	v7 =	vsel vm6, v9, v10  }
0xe2: {  	[tilespmem:s22+$0x31D0] =	vst v7;
	v7 =	vsel vm6, v8, v43  }
0xe3: {  	[tilespmem:s22+$0x31E0] =	vst v7;
	v7 =	vsel vm6, v44, v45  }
0xe4: {  	[tilespmem:s22+$0x31F0] =	vst v7  }
0xe5: {  	v7 =	vld [tilespmem:s21+$0x100]  }
0xe6: {  	v8 =	vld [tilespmem:s21+$0x110]  }
0xe7: {  	v46 =	vld [tilespmem:s21+$0x120]  }
0xe8: {  	v47 =	vld [tilespmem:s21+$0x130]  }
0xe9: {  	v48 =	vld [tilespmem:s21+$0x140]  }
0xea: {  	v49 =	vld [tilespmem:s21+$0x150]  }
0xeb: {  	v50 =	vld [tilespmem:s21+$0x160]  }
0xec: {  	v51 =	vld [tilespmem:s21+$0x170];
	_ =	sdelay $0x1  }
0xed: {  	v7 =	vperm.xlane v7, v6;
	v8 =	vperm.xlane v8, v6  }
0xee: {  	v9 =	vperm.xlane v46, v6;
	v10 =	vperm.xlane v47, v6  }
0xef: {  	v52 =	vperm.xlane v49, v6;
	v7 =	vsel vm6, v7, v8;
	v8 =	vperm.xlane v48, v6  }
0xf0: {  	v53 =	vperm.xlane v50, v6;
	v54 =	vperm.xlane v51, v6;
	[tilespmem:s22+$0x3200] =	vst v7;
	v7 =	vsel vm6, v9, v10  }
0xf1: {  	[tilespmem:s22+$0x3210] =	vst v7;
	v7 =	vsel vm6, v8, v52  }
0xf2: {  	[tilespmem:s22+$0x3220] =	vst v7;
	v7 =	vsel vm6, v53, v54  }
0xf3: {  	[tilespmem:s22+$0x3230] =	vst v7  }
0xf4: {  	v7 =	vld [tilespmem:s21+$0x180]  }
0xf5: {  	v8 =	vld [tilespmem:s21+$0x190]  }
0xf6: {  	v55 =	vld [tilespmem:s21+$0x1A0]  }
0xf7: {  	v56 =	vld [tilespmem:s21+$0x1B0]  }
0xf8: {  	v57 =	vld [tilespmem:s21+$0x1C0]  }
0xf9: {  	v58 =	vld [tilespmem:s21+$0x1D0]  }
0xfa: {  	v59 =	vld [tilespmem:s21+$0x1E0]  }
0xfb: {  	v60 =	vld [tilespmem:s21+$0x1F0];
	_ =	sdelay $0x1  }
0xfc: {  	v7 =	vperm.xlane v7, v6;
	v8 =	vperm.xlane v8, v6  }
0xfd: {  	p0 =	seq.s32 s20, $0x3800;
	v9 =	vperm.xlane v55, v6;
	v10 =	vperm.xlane v56, v6  }
.Ltmp3:
0xfe: {  	v61 =	vperm.xlane v58, v6;
	v7 =	vsel vm6, v7, v8;
	v8 =	vperm.xlane v57, v6;
	(pc) =	sbr.rel @!p0 .LBB2_10-.Ltmp3, $4  }
0xff: {  	v62 =	vperm.xlane v59, v6;
	v63 =	vperm.xlane v60, v6;
	[tilespmem:s22+$0x3240] =	vst v7;
	v7 =	vsel vm6, v9, v10  }
0x100: {  	[tilespmem:s22+$0x3250] =	vst v7;
	v7 =	vsel vm6, v8, v61  }
0x101: {  	[tilespmem:s22+$0x3260] =	vst v7;
	v7 =	vsel vm6, v62, v63  }
0x102: {  	s20 =	sadd.s32 $0x800, s20;
	s21 =	sadd.s32 $0x400, s21;
	[tilespmem:s22+$0x3270] =	vst v7  }
.Ltmp4:
0x103: {  	_ = 	snop;
	(pc) =	sbr.rel .LBB2_11-.Ltmp4, $1  }
0x104: {  	_ =	sdelay $0x3  }
.LBB2_2:
0x105: {  	s20 =	simm.s32 $0x0  }
0x106: {  	v10 =	vshll.u32 v10, $0x12;
	s22 =	sand.u32 $0x38000, s20;
	s23 =	sand.u32 $0x380, s20  }
0x107: {  	v7 =	vshll.u32 v7, $0x12;
	v9 =	vshll.u32 v9, $0x12;
	v10 =	vor.u32 v10, v3;
	s23 =	sor.u32 s23, s22  }
0x108: {  	v8 =	vshll.u32 v8, $0x12;
	s21 =	simm.s32 $0xA0;
	v7 =	vor.u32 v7, v0;
	v11 =	vadd.s32 s23, v10  }
0x109: {  	v8 =	vor.u32 v8, v1;
	v9 =	vor.u32 v9, v2;
	v13 =	vadd.s32 s23, v7;
	[tilespmem:s21+$0x10] =	vst v11  }
0x10a: {  	s22 =	simm.s32 $0x1000;
	v12 =	vadd.s32 s23, v8;
	v11 =	vadd.s32 s23, v9;
	[tilespmem:s21+$0xFFFFFFE0] =	vst v13;
	s23 =	simm.s32 $0x0  }
.LBB2_3:
0x10b: {  	s3 =	sand.u32 $0x38000, s22;
	[tilespmem:s21+$0xFFFFFFF0] =	vst v12;
	s23 =	sadd.s32 $0x80, s23;
	p0 =	sne.s32 s22, $0x3F000  }
.Ltmp5:
0x10c: {  	s22 =	sadd.s32 $0x1000, s22;
	s6 =	sand.u32 $0x380, s23;
	[tilespmem:s21+$0x0] =	vst v11;
	(pc) =	sbr.rel @p0 .LBB2_3-.Ltmp5, $4  }
0x10d: {  	s3 =	sor.u32 s6, s3  }
0x10e: {  	s21 =	sadd.s32 $0x40, s21;
	v13 =	vadd.s32 s3, v7;
	v12 =	vadd.s32 s3, v8;
	v14 =	vadd.s32 s3, v10  }
0x10f: {  	v11 =	vadd.s32 s3, v9;
	[tilespmem:s21+$0x10] =	vst v14  }
0x110: {  	[tilespmem:s21+$0xFFFFFFE0] =	vst v13  }
0x111: {  	[tilespmem:s21+$0xFFFFFFF0] =	vst v12;
	s3 =	sand.u32 $0xFC0, s20;
	s20 =	simm.s32 $0x80  }
0x112: {  	[tilespmem:s21+$0x0] =	vst v11;
	s21 =	simm.s32 $0x40;
	s22 =	simm.s32 $0x40;
	s3 =	sadd.s32 $0x3080, s3  }
0x113: {  	[tilespmem:s3], [sflag:$0x1] =	stream.indirect.gather [hbm4b:s2+s21], $0x1, s20, s21, $0xb8;
	[tilespmem:$0x4080] =	vst v63  }
.LBB2_5:
0x114: {  	p0 =	sne.s32 s22, $0xFC0  }
.Ltmp6:
0x115: {  	_ = 	snop;
	(pc) =	sbr.rel @p0 .LBB2_5-.Ltmp6, $4  }
0x116: {  	_ = 	snop  }
0x117: {  	s3 =	sand.u32 $0xFC0, s22;
	s22 =	sadd.s32 $0x40, s22  }
0x118: {  	s20 =	sadd.s32 $0x40, s20;
	s3 =	sadd.s32 $0x3080, s3  }
0x119: {  	[tilespmem:s3], [sflag:$0x1] =	stream.indirect.gather [hbm4b:s2+s21], $0x1, s20, s21, $0xb8;
	[tilespmem:$0x4080] =	vst v63  }
0x11a: {  	_ =	swait.ge [sflag:s18], $0x40  }
0x11b: {  	s20 =	simm.s32 $0x3F;
	s23 =	simm.s32 $0x0;
	[sflag:s18] =	ssyncset.done $0x0  }
.LBB2_7:
0x11c: {  	p0 =	sne.s32 s20, $0x1;
	s20 =	sadd.s32 $0xFFFFFFFF, s20;
	[sflag:s18] =	ssyncadd.s32 $0xFFFFFFC0  }
.Ltmp7:
0x11d: {  	(pc) =	sbr.rel @p0 .LBB2_7-.Ltmp7, $3  }
0x11e: {  	_ =	sdelay $0x1  }
0x11f: {  	_ =	swait.ge [sflag:s18], $0x40  }
0x120: {  	[sflag:s18] =	ssyncset.done $0x0  }
.Ltmp8:
0x121: {  	_ = 	snop;
	(pc) =	sbr.rel .LBB2_8-.Ltmp8, $1  }
0x122: {  	_ =	sdelay $0x3  }
.LBB2_12:
0x123: {  	_ =	sfence.sel $0x180000  }
0x124: {  	[bflag:$0x0] =	sbarrier.arrive $0xFFFF  }
0x125: {  	_ =	strace $0x90000047  }
0x126: {  	s0 =	stileid.u32;
	[bflag:$0x2] =	sbarrier.arrive $0xFFFF  }
0x127: {  	p0 =	sne.s32 s0, $0x0;
	s0 =	rddreg [dreg:$0x3]  }
0x128: {  	s0 =	sadd.s32 @!p0 $0x100000, s0  }
0x129: {  	[sflag:s0] =	ssyncadd.tile.s32 @!p0 $0x1;
	_ =	shalt  }
.Lfunc_end2:
_tile_overlayer_lowered:
.L_overlay_start_2:
0x12a: {  	(tag) =	ssettag $0x2  }
0x12b: {  	s0 =	rddreg [dreg:$0x0];
	s2 =	stileid.u32  }
0x12c: {  	s1 =	rddreg [dreg:$0x1];
	p0 =	sne.s32 s2, $0x0  }
0x12d: {  	s3 =	rddreg [dreg:$0x2];
	[bflag:$0x3] =	sbarrier.arrive $0xFFFF;
	s2 =	simm.s32 @!p0 $0x1C02  }
0x12e: {  	[timem:s3], [sflag:s2] =	dma.local @!p0 [hbm:s0], s1  }
0x12f: {  	s0 =	simm.s32 @!p0 $0x2  }
0x130: {  	_ =	swait.ge @!p0 [sflag:s0], s1  }
0x131: {  	s1 =	ssub.s32 @!p0 $0x0, s1;
	[sflag:s0] =	ssyncset.done @!p0 $0x0  }
0x132: {  	[sflag:s0] =	ssyncadd.s32 @!p0 s1  }
0x133: {  	[bflag:$0x3] =	sbarrier.arrive $0xFFFF  }
0x134: {  	_ =	shalt  }

</sc_bundles>
